<compile_context>
chip_gen: v7x
topology: tpu7x:2x2x1
jax: 0.10.2.dev20260603
libtpu: 0.0.44.dev20260713+nightly
codegen_flags: <defaults>
</compile_context>

<pallas_src>
import functools

import jax
import jax.numpy as jnp
import numpy as np
from jax.experimental import pallas as pl

_PROPOSAL_COUNT = 2000
_PRE_NMS = 6000
_K_PAD = 6144
_NMS_THRESHOLD = 0.7
_STD_DEV = np.array([0.1, 0.1, 0.2, 0.2], dtype=np.float32)


def _refine_nms_kernel(a_ref, d_ref, box_ref, keep_ref):
    a = a_ref[0]
    d = d_ref[0]
    ay1, ax1, ay2, ax2 = a[0:1], a[1:2], a[2:3], a[3:4]
    dy, dx, dh, dw = d[0:1], d[1:2], d[2:3], d[3:4]

    h = ay2 - ay1
    w = ax2 - ax1
    cy = ay1 + 0.5 * h + dy * h
    cx = ax1 + 0.5 * w + dx * w
    h = h * jnp.exp(dh)
    w = w * jnp.exp(dw)
    y1 = jnp.clip(cy - 0.5 * h, 0.0, 1.0)
    x1 = jnp.clip(cx - 0.5 * w, 0.0, 1.0)
    y2 = jnp.clip(cy + 0.5 * h, 0.0, 1.0)
    x2 = jnp.clip(cx + 0.5 * w, 0.0, 1.0)
    area = (y2 - y1) * (x2 - x1)

    box_ref[0] = jnp.concatenate([y1, x1, y2, x2], axis=0)

    ar = jax.lax.broadcasted_iota(jnp.int32, (1, _K_PAD), 1)
    keep0 = (ar < _PRE_NMS).astype(jnp.float32)

    def body(i, keepf):
        m = (ar == i).astype(jnp.float32)
        by1 = jnp.sum(y1 * m)
        bx1 = jnp.sum(x1 * m)
        by2 = jnp.sum(y2 * m)
        bx2 = jnp.sum(x2 * m)
        barea = jnp.sum(area * m)
        ki = jnp.sum(keepf * m)
        iy1 = jnp.maximum(by1, y1)
        ix1 = jnp.maximum(bx1, x1)
        iy2 = jnp.minimum(by2, y2)
        ix2 = jnp.minimum(bx2, x2)
        inter = jnp.maximum(iy2 - iy1, 0.0) * jnp.maximum(ix2 - ix1, 0.0)
        union = barea + area - inter
        iou = inter / (union + 1e-8)
        sup = (iou > _NMS_THRESHOLD) & (ki > 0.5) & (ar > i)
        return jnp.where(sup, 0.0, keepf)

    keep_ref[0] = jax.lax.fori_loop(0, _PRE_NMS, body, keep0)


@functools.partial(jax.jit)
def kernel(rpn_probs, rpn_bbox, anchors):
    B = rpn_probs.shape[0]
    scores = rpn_probs[:, :, 1]
    _, ix = jax.lax.top_k(scores, _PRE_NMS)
    d = jnp.take_along_axis(rpn_bbox, ix[..., None], axis=1) * jnp.asarray(
        _STD_DEV
    ).reshape(1, 1, 4)
    a = jnp.take_along_axis(anchors, ix[..., None], axis=1)
    pad = _K_PAD - _PRE_NMS
    d = jnp.pad(d, ((0, 0), (0, pad), (0, 0)))
    a = jnp.pad(a, ((0, 0), (0, pad), (0, 0)))
    a_t = a.transpose(0, 2, 1)
    d_t = d.transpose(0, 2, 1)

    boxes_t, keep = pl.pallas_call(
        _refine_nms_kernel,
        grid=(B,),
        in_specs=[
            pl.BlockSpec((1, 4, _K_PAD), lambda b: (b, 0, 0)),
            pl.BlockSpec((1, 4, _K_PAD), lambda b: (b, 0, 0)),
        ],
        out_specs=[
            pl.BlockSpec((1, 4, _K_PAD), lambda b: (b, 0, 0)),
            pl.BlockSpec((1, 1, _K_PAD), lambda b: (b, 0, 0)),
        ],
        out_shape=[
            jax.ShapeDtypeStruct((B, 4, _K_PAD), jnp.float32),
            jax.ShapeDtypeStruct((B, 1, _K_PAD), jnp.float32),
        ],
    )(a_t, d_t)

    boxes = boxes_t.transpose(0, 2, 1)
    keep_b = keep[:, 0, :] > 0.5

    def compact(kb, bx):
        idx = jnp.nonzero(kb, size=_PROPOSAL_COUNT, fill_value=-1)[0]
        valid = (idx >= 0).astype(bx.dtype)[:, None]
        return jnp.take(bx, jnp.clip(idx, 0, _PRE_NMS - 1), axis=0) * valid

    return jax.vmap(compact)(keep_b, boxes)

# --- scband reference (transcript-rebuilt; emitter-appended) ---
"""Pipeline reference for scband-proposal-layer-6493990552184 (READ-ONLY COPY).

The authoritative reference and input builder live on the scoring server;
editing this copy changes nothing except your own understanding.
"""

import jax, jax.numpy as jnp
import numpy as np

B = 2
N = 261888
PROPOSAL_COUNT = 2000
PRE_NMS_LIMIT = 6000
NMS_THRESHOLD = 0.7
RPN_BBOX_STD_DEV = np.array([0.1, 0.1, 0.2, 0.2], dtype=np.float32)


def setup_inputs(seed: int = 0) -> dict:
    key = jax.random.key(seed)
    k1, k2, k3 = jax.random.split(key, 3)
    rpn_probs = jax.random.uniform(k1, (B, N, 2), dtype=jnp.float32)
    rpn_bbox = jax.random.normal(k2, (B, N, 4), dtype=jnp.float32) * 0.5
    u = jax.random.uniform(k3, (B, N, 4), dtype=jnp.float32)
    y1 = u[..., 0] * 0.9
    x1 = u[..., 1] * 0.9
    h = u[..., 2] * 0.08 + 0.01
    w = u[..., 3] * 0.08 + 0.01
    anchors = jnp.stack([y1, x1, jnp.minimum(y1 + h, 1.0), jnp.minimum(x1 + w, 1.0)], axis=-1)
    return {"rpn_probs": rpn_probs, "rpn_bbox": rpn_bbox, "anchors": anchors}


def _apply_box_deltas(boxes, deltas):
    height = boxes[:, 2] - boxes[:, 0]
    width = boxes[:, 3] - boxes[:, 1]
    center_y = boxes[:, 0] + 0.5 * height
    center_x = boxes[:, 1] + 0.5 * width
    center_y = center_y + deltas[:, 0] * height
    center_x = center_x + deltas[:, 1] * width
    height = height * jnp.exp(deltas[:, 2])
    width = width * jnp.exp(deltas[:, 3])
    y1 = center_y - 0.5 * height
    x1 = center_x - 0.5 * width
    y2 = y1 + height
    x2 = x1 + width
    return jnp.stack([y1, x1, y2, x2], axis=1)


def _iou_matrix(boxes):
    y1, x1, y2, x2 = boxes[:, 0], boxes[:, 1], boxes[:, 2], boxes[:, 3]
    area = (y2 - y1) * (x2 - x1)
    iy1 = jnp.maximum(y1[:, None], y1[None, :])
    ix1 = jnp.maximum(x1[:, None], x1[None, :])
    iy2 = jnp.minimum(y2[:, None], y2[None, :])
    ix2 = jnp.minimum(x2[:, None], x2[None, :])
    inter = jnp.maximum(iy2 - iy1, 0.0) * jnp.maximum(ix2 - ix1, 0.0)
    union = area[:, None] + area[None, :] - inter
    return inter / (union + 1e-8)


def _per_image(scores, deltas, anchors):
    k = min(PRE_NMS_LIMIT, scores.shape[0])
    _, ix = jax.lax.top_k(scores, k)
    d = jnp.take(deltas, ix, axis=0)
    a = jnp.take(anchors, ix, axis=0)
    boxes = _apply_box_deltas(a, d)
    boxes = jnp.clip(boxes, 0.0, 1.0)
    ious = _iou_matrix(jax.lax.stop_gradient(boxes))
    ar = jnp.arange(k)

    def body(i, keep):
        sup = (ious[i] > NMS_THRESHOLD) & keep[i] & (ar > i)
        return keep & (~sup)

    keep = jax.lax.fori_loop(0, k, body, jnp.ones((k,), dtype=bool))
    idx = jnp.nonzero(keep, size=PROPOSAL_COUNT, fill_value=-1)[0]
    valid = (idx >= 0).astype(boxes.dtype)[:, None]
    props = jnp.take(boxes, jnp.clip(idx, 0, k - 1), axis=0) * valid
    return props


def reference(rpn_probs, rpn_bbox, anchors):
    scores = rpn_probs[:, :, 1]
    deltas = rpn_bbox * jnp.asarray(RPN_BBOX_STD_DEV).reshape(1, 1, 4)
    outs = []
    for b in range(rpn_probs.shape[0]):
        outs.append(_per_image(scores[b], deltas[b], anchors[b]))
    return jnp.stack(outs, axis=0)

if __name__ == "__main__":
    import jax
    _d = setup_inputs()
    print(jax.jit(kernel)(*tuple(_d.values())))

</pallas_src>

<mosaic_0001>
module attributes {stable_mosaic.version = 14 : i64} {
  func.func @_refine_nms_kernel(%arg0: i32, %arg1: memref<1x4x6144xf32, #tpu.memory_space<vmem>>, %arg2: memref<1x4x6144xf32, #tpu.memory_space<vmem>>, %arg3: memref<1x4x6144xf32, #tpu.memory_space<vmem>>, %arg4: memref<1x1x6144xf32, #tpu.memory_space<vmem>>) attributes {dimension_semantics = [#tpu.dimension_semantics<arbitrary>], iteration_bounds = array<i64: 2>, scalar_prefetch = 0 : i64, scratch_operands = 0 : i64, tpu.core_type = #tpu.core_type<tc>, window_params = [{transform_indices = @transform_0, window_bounds = array<i64: 1, 4, 6144>}, {transform_indices = @transform_1, window_bounds = array<i64: 1, 4, 6144>}, {transform_indices = @transform_2, window_bounds = array<i64: 1, 4, 6144>}, {transform_indices = @transform_3, window_bounds = array<i64: 1, 1, 6144>}]} {
    %get3A = arith.constant 0 : index
    %get3A_0 = arith.constant 0 : index
    %get3A_1 = arith.constant 0 : index
    %get3A_2 = vector.load %arg1[%get3A, %get3A_0, %get3A_1] : memref<1x4x6144xf32, #tpu.memory_space<vmem>>, vector<1x4x6144xf32>
    %get3A_3 = vector.shape_cast %get3A_2 : vector<1x4x6144xf32> to vector<4x6144xf32>
    %get3A_4 = arith.constant 0 : index
    %get3A_5 = arith.constant 0 : index
    %get3A_6 = arith.constant 0 : index
    %get3A_7 = vector.load %arg2[%get3A_4, %get3A_5, %get3A_6] : memref<1x4x6144xf32, #tpu.memory_space<vmem>>, vector<1x4x6144xf32>
    %get3A_8 = vector.shape_cast %get3A_7 : vector<1x4x6144xf32> to vector<4x6144xf32>
    %slice3A = vector.extract_strided_slice %get3A_3 {offsets = [0, 0], sizes = [1, 6144], strides = [1, 1]} : vector<4x6144xf32> to vector<1x6144xf32>
    %slice3A_9 = vector.extract_strided_slice %get3A_3 {offsets = [1, 0], sizes = [1, 6144], strides = [1, 1]} : vector<4x6144xf32> to vector<1x6144xf32>
    %slice3A_10 = vector.extract_strided_slice %get3A_3 {offsets = [2, 0], sizes = [1, 6144], strides = [1, 1]} : vector<4x6144xf32> to vector<1x6144xf32>
    %slice3A_11 = vector.extract_strided_slice %get3A_3 {offsets = [3, 0], sizes = [1, 6144], strides = [1, 1]} : vector<4x6144xf32> to vector<1x6144xf32>
    %slice3A_12 = vector.extract_strided_slice %get3A_8 {offsets = [0, 0], sizes = [1, 6144], strides = [1, 1]} : vector<4x6144xf32> to vector<1x6144xf32>
    %slice3A_13 = vector.extract_strided_slice %get3A_8 {offsets = [1, 0], sizes = [1, 6144], strides = [1, 1]} : vector<4x6144xf32> to vector<1x6144xf32>
    %slice3A_14 = vector.extract_strided_slice %get3A_8 {offsets = [2, 0], sizes = [1, 6144], strides = [1, 1]} : vector<4x6144xf32> to vector<1x6144xf32>
    %slice3A_15 = vector.extract_strided_slice %get3A_8 {offsets = [3, 0], sizes = [1, 6144], strides = [1, 1]} : vector<4x6144xf32> to vector<1x6144xf32>
    %sub3A = arith.subf %slice3A_10, %slice3A : vector<1x6144xf32>
    %sub3A_16 = arith.subf %slice3A_11, %slice3A_9 : vector<1x6144xf32>
    %mul3A = arith.constant 5.000000e-01 : f32
    %mul3A_17 = vector.broadcast %mul3A : f32 to vector<1x6144xf32>
    %mul3A_18 = arith.mulf %mul3A_17, %sub3A : vector<1x6144xf32>
    %add3A = arith.addf %slice3A, %mul3A_18 : vector<1x6144xf32>
    %mul3A_19 = arith.mulf %slice3A_12, %sub3A : vector<1x6144xf32>
    %add3A_20 = arith.addf %add3A, %mul3A_19 : vector<1x6144xf32>
    %mul3A_21 = arith.constant 5.000000e-01 : f32
    %mul3A_22 = vector.broadcast %mul3A_21 : f32 to vector<1x6144xf32>
    %mul3A_23 = arith.mulf %mul3A_22, %sub3A_16 : vector<1x6144xf32>
    %add3A_24 = arith.addf %slice3A_9, %mul3A_23 : vector<1x6144xf32>
    %mul3A_25 = arith.mulf %slice3A_13, %sub3A_16 : vector<1x6144xf32>
    %add3A_26 = arith.addf %add3A_24, %mul3A_25 : vector<1x6144xf32>
    %exp3A = math.exp %slice3A_14 : vector<1x6144xf32>
    %mul3A_27 = arith.mulf %sub3A, %exp3A : vector<1x6144xf32>
    %exp3A_28 = math.exp %slice3A_15 : vector<1x6144xf32>
    %mul3A_29 = arith.mulf %sub3A_16, %exp3A_28 : vector<1x6144xf32>
    %mul3A_30 = arith.constant 5.000000e-01 : f32
    %mul3A_31 = vector.broadcast %mul3A_30 : f32 to vector<1x6144xf32>
    %mul3A_32 = arith.mulf %mul3A_31, %mul3A_27 : vector<1x6144xf32>
    %sub3A_33 = arith.subf %add3A_20, %mul3A_32 : vector<1x6144xf32>
    %jit3A = arith.constant 0.000000e+00 : f32
    %jit3A_34 = arith.constant 1.000000e+00 : f32
    %max3A = vector.broadcast %jit3A : f32 to vector<1x6144xf32>
    %max3A_35 = arith.maximumf %max3A, %sub3A_33 : vector<1x6144xf32>
    %min3A = vector.broadcast %jit3A_34 : f32 to vector<1x6144xf32>
    %min3A_36 = arith.minimumf %min3A, %max3A_35 : vector<1x6144xf32>
    %mul3A_37 = arith.constant 5.000000e-01 : f32
    %mul3A_38 = vector.broadcast %mul3A_37 : f32 to vector<1x6144xf32>
    %mul3A_39 = arith.mulf %mul3A_38, %mul3A_29 : vector<1x6144xf32>
    %sub3A_40 = arith.subf %add3A_26, %mul3A_39 : vector<1x6144xf32>
    %jit3A_41 = arith.constant 0.000000e+00 : f32
    %jit3A_42 = arith.constant 1.000000e+00 : f32
    %max3A_43 = vector.broadcast %jit3A_41 : f32 to vector<1x6144xf32>
    %max3A_44 = arith.maximumf %max3A_43, %sub3A_40 : vector<1x6144xf32>
    %min3A_45 = vector.broadcast %jit3A_42 : f32 to vector<1x6144xf32>
    %min3A_46 = arith.minimumf %min3A_45, %max3A_44 : vector<1x6144xf32>
    %mul3A_47 = arith.constant 5.000000e-01 : f32
    %mul3A_48 = vector.broadcast %mul3A_47 : f32 to vector<1x6144xf32>
    %mul3A_49 = arith.mulf %mul3A_48, %mul3A_27 : vector<1x6144xf32>
    %add3A_50 = arith.addf %add3A_20, %mul3A_49 : vector<1x6144xf32>
    %jit3A_51 = arith.constant 0.000000e+00 : f32
    %jit3A_52 = arith.constant 1.000000e+00 : f32
    %max3A_53 = vector.broadcast %jit3A_51 : f32 to vector<1x6144xf32>
    %max3A_54 = arith.maximumf %max3A_53, %add3A_50 : vector<1x6144xf32>
    %min3A_55 = vector.broadcast %jit3A_52 : f32 to vector<1x6144xf32>
    %min3A_56 = arith.minimumf %min3A_55, %max3A_54 : vector<1x6144xf32>
    %mul3A_57 = arith.constant 5.000000e-01 : f32
    %mul3A_58 = vector.broadcast %mul3A_57 : f32 to vector<1x6144xf32>
    %mul3A_59 = arith.mulf %mul3A_58, %mul3A_29 : vector<1x6144xf32>
    %add3A_60 = arith.addf %add3A_26, %mul3A_59 : vector<1x6144xf32>
    %jit3A_61 = arith.constant 0.000000e+00 : f32
    %jit3A_62 = arith.constant 1.000000e+00 : f32
    %max3A_63 = vector.broadcast %jit3A_61 : f32 to vector<1x6144xf32>
    %max3A_64 = arith.maximumf %max3A_63, %add3A_60 : vector<1x6144xf32>
    %min3A_65 = vector.broadcast %jit3A_62 : f32 to vector<1x6144xf32>
    %min3A_66 = arith.minimumf %min3A_65, %max3A_64 : vector<1x6144xf32>
    %sub3A_67 = arith.subf %min3A_56, %min3A_36 : vector<1x6144xf32>
    %sub3A_68 = arith.subf %min3A_66, %min3A_46 : vector<1x6144xf32>
    %mul3A_69 = arith.mulf %sub3A_67, %sub3A_68 : vector<1x6144xf32>
    %concatenate3A = tpu.concatenate %min3A_36, %min3A_46, %min3A_56, %min3A_66 in 0 : vector<1x6144xf32>, vector<1x6144xf32>, vector<1x6144xf32>, vector<1x6144xf32> -> vector<4x6144xf32>
    %swap3A = arith.constant 0 : index
    %swap3A_70 = arith.constant 0 : index
    %swap3A_71 = arith.constant 0 : index
    %swap3A_72 = vector.load %arg3[%swap3A, %swap3A_70, %swap3A_71] : memref<1x4x6144xf32, #tpu.memory_space<vmem>>, vector<1x4x6144xf32>
    %swap3A_73 = vector.shape_cast %swap3A_72 : vector<1x4x6144xf32> to vector<4x6144xf32>
    %swap3A_74 = vector.shape_cast %concatenate3A : vector<4x6144xf32> to vector<1x4x6144xf32>
    tpu.vector_store %arg3[%swap3A, %swap3A_70, %swap3A_71], %swap3A_74 {strides = array<i32>} : memref<1x4x6144xf32, #tpu.memory_space<vmem>>, vector<1x4x6144xf32>,
    %iota3A = tpu.iota {dimensions = array<i32: 1>} : vector<1x6144xi32>
    %lt3A = arith.constant 6000 : i32
    %lt3A_75 = vector.broadcast %lt3A : i32 to vector<1x6144xi32>
    %lt3A_76 = arith.cmpi slt, %iota3A, %lt3A_75 : vector<1x6144xi32>
    %convert_element_type3A = arith.extui %lt3A_76 : vector<1x6144xi1> to vector<1x6144xi32>
    %convert_element_type3A_77 = arith.sitofp %convert_element_type3A : vector<1x6144xi32> to vector<1x6144xf32>
    %scan3A = arith.constant 0 : i32
    %scan3A_78 = arith.constant 6000 : i32
    %scan3A_79 = arith.addi %scan3A, %scan3A_78 : i32
    %scan3A_80 = arith.constant 1 : i32
    %scan3A_81 = scf.for %scan3A_89 = %scan3A to %scan3A_79 step %scan3A_80 iter_args(%scan3A_90 = %convert_element_type3A_77) -> (vector<1x6144xf32>)  : i32 {
      %eq3A = vector.broadcast %scan3A_89 : i32 to vector<1x6144xi32>
      %eq3A_91 = arith.cmpi eq, %iota3A, %eq3A : vector<1x6144xi32>
      %convert_element_type3A_92 = arith.extui %eq3A_91 : vector<1x6144xi1> to vector<1x6144xi32>
      %convert_element_type3A_93 = arith.sitofp %convert_element_type3A_92 : vector<1x6144xi32> to vector<1x6144xf32>
      %mul3A_94 = arith.mulf %min3A_36, %convert_element_type3A_93 : vector<1x6144xf32>
      %reduce_sum3A = vector.shape_cast %mul3A_94 : vector<1x6144xf32> to vector<1x1x6144xf32>
      %reduce_sum3A_95 = arith.constant dense<0.000000e+00> : vector<1xf32>
      %reduce_sum3A_96 = vector.multi_reduction <add>, %reduce_sum3A, %reduce_sum3A_95 [1, 2] : vector<1x1x6144xf32> to vector<1xf32>
      %reduce_sum3A_97 = vector.shape_cast %reduce_sum3A_96 : vector<1xf32> to vector<1x1x1xf32>
      %reduce_sum3A_98 = vector.extract %reduce_sum3A_97[0, 0, 0] : f32 from vector<1x1x1xf32>
      %mul3A_99 = arith.mulf %min3A_46, %convert_element_type3A_93 : vector<1x6144xf32>
      %reduce_sum3A_100 = vector.shape_cast %mul3A_99 : vector<1x6144xf32> to vector<1x1x6144xf32>
      %reduce_sum3A_101 = arith.constant dense<0.000000e+00> : vector<1xf32>
      %reduce_sum3A_102 = vector.multi_reduction <add>, %reduce_sum3A_100, %reduce_sum3A_101 [1, 2] : vector<1x1x6144xf32> to vector<1xf32>
      %reduce_sum3A_103 = vector.shape_cast %reduce_sum3A_102 : vector<1xf32> to vector<1x1x1xf32>
      %reduce_sum3A_104 = vector.extract %reduce_sum3A_103[0, 0, 0] : f32 from vector<1x1x1xf32>
      %mul3A_105 = arith.mulf %min3A_56, %convert_element_type3A_93 : vector<1x6144xf32>
      %reduce_sum3A_106 = vector.shape_cast %mul3A_105 : vector<1x6144xf32> to vector<1x1x6144xf32>
      %reduce_sum3A_107 = arith.constant dense<0.000000e+00> : vector<1xf32>
      %reduce_sum3A_108 = vector.multi_reduction <add>, %reduce_sum3A_106, %reduce_sum3A_107 [1, 2] : vector<1x1x6144xf32> to vector<1xf32>
      %reduce_sum3A_109 = vector.shape_cast %reduce_sum3A_108 : vector<1xf32> to vector<1x1x1xf32>
      %reduce_sum3A_110 = vector.extract %reduce_sum3A_109[0, 0, 0] : f32 from vector<1x1x1xf32>
      %mul3A_111 = arith.mulf %min3A_66, %convert_element_type3A_93 : vector<1x6144xf32>
      %reduce_sum3A_112 = vector.shape_cast %mul3A_111 : vector<1x6144xf32> to vector<1x1x6144xf32>
      %reduce_sum3A_113 = arith.constant dense<0.000000e+00> : vector<1xf32>
      %reduce_sum3A_114 = vector.multi_reduction <add>, %reduce_sum3A_112, %reduce_sum3A_113 [1, 2] : vector<1x1x6144xf32> to vector<1xf32>
      %reduce_sum3A_115 = vector.shape_cast %reduce_sum3A_114 : vector<1xf32> to vector<1x1x1xf32>
      %reduce_sum3A_116 = vector.extract %reduce_sum3A_115[0, 0, 0] : f32 from vector<1x1x1xf32>
      %mul3A_117 = arith.mulf %mul3A_69, %convert_element_type3A_93 : vector<1x6144xf32>
      %reduce_sum3A_118 = vector.shape_cast %mul3A_117 : vector<1x6144xf32> to vector<1x1x6144xf32>
      %reduce_sum3A_119 = arith.constant dense<0.000000e+00> : vector<1xf32>
      %reduce_sum3A_120 = vector.multi_reduction <add>, %reduce_sum3A_118, %reduce_sum3A_119 [1, 2] : vector<1x1x6144xf32> to vector<1xf32>
      %reduce_sum3A_121 = vector.shape_cast %reduce_sum3A_120 : vector<1xf32> to vector<1x1x1xf32>
      %reduce_sum3A_122 = vector.extract %reduce_sum3A_121[0, 0, 0] : f32 from vector<1x1x1xf32>
      %mul3A_123 = arith.mulf %scan3A_90, %convert_element_type3A_93 : vector<1x6144xf32>
      %reduce_sum3A_124 = vector.shape_cast %mul3A_123 : vector<1x6144xf32> to vector<1x1x6144xf32>
      %reduce_sum3A_125 = arith.constant dense<0.000000e+00> : vector<1xf32>
      %reduce_sum3A_126 = vector.multi_reduction <add>, %reduce_sum3A_124, %reduce_sum3A_125 [1, 2] : vector<1x1x6144xf32> to vector<1xf32>
      %reduce_sum3A_127 = vector.shape_cast %reduce_sum3A_126 : vector<1xf32> to vector<1x1x1xf32>
      %reduce_sum3A_128 = vector.extract %reduce_sum3A_127[0, 0, 0] : f32 from vector<1x1x1xf32>
      %max3A_129 = vector.broadcast %reduce_sum3A_98 : f32 to vector<1x6144xf32>
      %max3A_130 = arith.maximumf %max3A_129, %min3A_36 : vector<1x6144xf32>
      %max3A_131 = vector.broadcast %reduce_sum3A_104 : f32 to vector<1x6144xf32>
      %max3A_132 = arith.maximumf %max3A_131, %min3A_46 : vector<1x6144xf32>
      %min3A_133 = vector.broadcast %reduce_sum3A_110 : f32 to vector<1x6144xf32>
      %min3A_134 = arith.minimumf %min3A_133, %min3A_56 : vector<1x6144xf32>
      %min3A_135 = vector.broadcast %reduce_sum3A_116 : f32 to vector<1x6144xf32>
      %min3A_136 = arith.minimumf %min3A_135, %min3A_66 : vector<1x6144xf32>
      %sub3A_137 = arith.subf %min3A_134, %max3A_130 : vector<1x6144xf32>
      %max3A_138 = arith.constant 0.000000e+00 : f32
      %max3A_139 = vector.broadcast %max3A_138 : f32 to vector<1x6144xf32>
      %max3A_140 = arith.maximumf %sub3A_137, %max3A_139 : vector<1x6144xf32>
      %sub3A_141 = arith.subf %min3A_136, %max3A_132 : vector<1x6144xf32>
      %max3A_142 = arith.constant 0.000000e+00 : f32
      %max3A_143 = vector.broadcast %max3A_142 : f32 to vector<1x6144xf32>
      %max3A_144 = arith.maximumf %sub3A_141, %max3A_143 : vector<1x6144xf32>
      %mul3A_145 = arith.mulf %max3A_140, %max3A_144 : vector<1x6144xf32>
      %add3A_146 = vector.broadcast %reduce_sum3A_122 : f32 to vector<1x6144xf32>
      %add3A_147 = arith.addf %add3A_146, %mul3A_69 : vector<1x6144xf32>
      %sub3A_148 = arith.subf %add3A_147, %mul3A_145 : vector<1x6144xf32>
      %add3A_149 = arith.constant 9.99999993E-9 : f32
      %add3A_150 = vector.broadcast %add3A_149 : f32 to vector<1x6144xf32>
      %add3A_151 = arith.addf %sub3A_148, %add3A_150 : vector<1x6144xf32>
      %div3A = arith.divf %mul3A_145, %add3A_151 : vector<1x6144xf32>
      %gt3A = arith.constant 0.699999988 : f32
      %gt3A_152 = vector.broadcast %gt3A : f32 to vector<1x6144xf32>
      %gt3A_153 = arith.cmpf ogt, %div3A, %gt3A_152 : vector<1x6144xf32>
      %gt3A_154 = arith.constant 5.000000e-01 : f32
      %gt3A_155 = arith.cmpf ogt, %reduce_sum3A_128, %gt3A_154 : f32
      %and3A = vector.broadcast %gt3A_155 : i1 to vector<1x6144xi1>
      %and3A_156 = arith.andi %gt3A_153, %and3A : vector<1x6144xi1>
      %gt3A_157 = vector.broadcast %scan3A_89 : i32 to vector<1x6144xi32>
      %gt3A_158 = arith.cmpi sgt, %iota3A, %gt3A_157 : vector<1x6144xi32>
      %and3A_159 = arith.andi %and3A_156, %gt3A_158 : vector<1x6144xi1>
      %jit3A_160 = arith.constant 0.000000e+00 : f32
      %broadcast_in_dim3A = vector.broadcast %jit3A_160 : f32 to vector<1x6144xf32>
      %select_n3A = arith.select %and3A_159, %broadcast_in_dim3A, %scan3A_90 : vector<1x6144xi1>, vector<1x6144xf32>
      scf.yield %select_n3A : vector<1x6144xf32>
    }
    %scan3A_82 = arith.constant 6000 : i32
    %swap3A_83 = arith.constant 0 : index
    %swap3A_84 = arith.constant 0 : index
    %swap3A_85 = arith.constant 0 : index
    %swap3A_86 = vector.load %arg4[%swap3A_83, %swap3A_84, %swap3A_85] : memref<1x1x6144xf32, #tpu.memory_space<vmem>>, vector<1x1x6144xf32>
    %swap3A_87 = vector.shape_cast %swap3A_86 : vector<1x1x6144xf32> to vector<1x6144xf32>
    %swap3A_88 = vector.shape_cast %scan3A_81 : vector<1x6144xf32> to vector<1x1x6144xf32>
    tpu.vector_store %arg4[%swap3A_83, %swap3A_84, %swap3A_85], %swap3A_88 {strides = array<i32>} : memref<1x1x6144xf32, #tpu.memory_space<vmem>>, vector<1x1x6144xf32>,
    return
  }
  func.func @transform_0(%arg0: i32) -> (i32, i32, i32) {
    %c0_i32 = arith.constant 0 : i32
    %c0_i32_0 = arith.constant 0 : i32
    %c0_i32_1 = arith.constant 0 : i32
    return %arg0, %c0_i32, %c0_i32_0 : i32, i32, i32
  }
  func.func @transform_1(%arg0: i32) -> (i32, i32, i32) {
    %c0_i32 = arith.constant 0 : i32
    %c0_i32_0 = arith.constant 0 : i32
    %c0_i32_1 = arith.constant 0 : i32
    return %arg0, %c0_i32, %c0_i32_0 : i32, i32, i32
  }
  func.func @transform_2(%arg0: i32) -> (i32, i32, i32) {
    %c0_i32 = arith.constant 0 : i32
    %c0_i32_0 = arith.constant 0 : i32
    %c0_i32_1 = arith.constant 0 : i32
    return %arg0, %c0_i32, %c0_i32_0 : i32, i32, i32
  }
  func.func @transform_3(%arg0: i32) -> (i32, i32, i32) {
    %c0_i32 = arith.constant 0 : i32
    %c0_i32_0 = arith.constant 0 : i32
    %c0_i32_1 = arith.constant 0 : i32
    return %arg0, %c0_i32, %c0_i32_0 : i32, i32, i32
  }
}

</mosaic_0001>

<sc_bundles>
// kernel: gather_offload_async_start.1
scs
__scs_entry_jumppad:
0x0: {  	(pc) =	sbr.rel $0x88, $3  }
0x1: {  	(tag) =	ssettag $0x0;
	lr =	simm.s32 $0x1  }
0x2: {  	[smem:$0x3F9E] =	sst lr;
	_ =	strace $0xD0000000  }
0x3: {  	_ = 	snop  }
0x4: {  	_ = 	snop  }
0x5: {  	_ = 	snop  }
0x6: {  	_ = 	snop  }
0x7: {  	_ = 	snop  }
__scs_overlays_trampoline_lowered:
0x8: {  	[smem:$0x3FAD] =	sst s0  }
0x9: {  	[smem:$0x3FAE] =	sst s1  }
0xa: {  	[smem:$0x3FAF] =	sst s2  }
0xb: {  	[smem:$0x3FB0] =	sst s3  }
0xc: {  	[smem:$0x3FB1] =	sst s4  }
0xd: {  	[smem:$0x3FB2] =	sst s5  }
0xe: {  	[smem:$0x3FB3] =	sst s6  }
0xf: {  	[smem:$0x3FB4] =	sst s7  }
0x10: {  	[smem:$0x3FB5] =	sst s8  }
0x11: {  	[smem:$0x3FB6] =	sst s9;
	s0 =	simm.s32 @!p0 $0x0  }
0x12: {  	s1 =	sld [smem:$0x3F9C];
	s0 =	simm.s32 @p0 $0x1  }
0x13: {  	[smem:$0x3FB7] =	sst s0;
	s0 =	simm.s32 @!p1 $0x0  }
0x14: {  	s2 =	sld [smem:$0x3F9B];
	s0 =	simm.s32 @p1 $0x1  }
0x15: {  	[smem:$0x3FB8] =	sst s0;
	s0 =	simm.s32 @!p2 $0x0  }
0x16: {  	s3 =	sld [smem:$0x3FDB];
	s0 =	simm.s32 @p2 $0x1  }
0x17: {  	s4 =	simm.s32 $0x1BF5;
	[smem:$0x3FBA] =	sst s0  }
0x18: {  	s0 =	sld [smem:$0x3F9D];
	_ =	swait.ge [sflag:s4], $0x0  }
0x19: {  	s7 =	sld [smem:$0x3F9E]  }
0x1a: {  	s8 =	sadd.s32 $0xFFFFE003, lr  }
0x1b: {  	s9 =	sadd.s32 $0xFFFFFEF7, lr;
	s5 =	simm.s32 $0xFFFFFFFF;
	p2 =	slt.u32 s8, $0xFFFFF086  }
0x1c: {  	p1 =	slt.u32 s9, $0xF7A;
	s5 =	simm.s32 @!p2 $0x0  }
0x1d: {  	s5 =	simm.s32 @p1 $0x1;
	p0 =	seq.s32 s7, s2  }
0x1e: {  	s7 =	smul.u32 @!p0 $0xF7A, s2;
	p2 =	seq.s32 @!p0 s5, $0x0  }
0x1f: {  	s9 =	smul.u32 $0xF7A, s1;
	s8 =	simm.s32 @!p0 $0x1BF5;
	p2 =	por !p2, p0  }
0x20: {  	[sflag:s8] =	ssyncset.s32 @!p0 $0xFFFFF086;
	s6 =	sadd.s32 @!p0 s3, s7;
	s7 =	simm.s32 @!p0 $0x108  }
0x21: {  	s3 =	sadd.s32 s3, s9;
	s6 =	sadd.s32 @!p0 $0x88, s6;
	s7 =	simm.s32 @p2 $0x1082  }
0x22: {  	[simem:s7], [sflag:s8] =	dma.local @!p0 [hbm:s6], $0xF7A  }
0x23: {  	s9 =	sor.u32 $0xD0000000, s2;
	s6 =	simm.s32 $0x108;
	_ =	swait.ge @!p0 [sflag:s8], $0x0  }
0x24: {  	s3 =	sadd.s32 $0x88, s3;
	s6 =	simm.s32 @!p1 $0x1082;
	[sflag:s4] =	ssyncset.s32 $0xFFFFF086  }
0x25: {  	[simem:s6], [sflag:s4] =	dma.local [hbm:s3], $0xF7A  }
0x26: {  	[smem:$0x3F9E] =	sst s1;
	(tag) =	ssettag s2;
	_ =	strace s9  }
0x27: {  	s1 =	sld [smem:$0x3FAE]  }
0x28: {  	s2 =	sld [smem:$0x3FAF]  }
0x29: {  	s4 =	sld [smem:$0x3FB1]  }
0x2a: {  	p0 =	seq.s32 s5, $0x0;
	s5 =	sld [smem:$0x3FB2]  }
0x2b: {  	s6 =	sld [smem:$0x3FB3]  }
0x2c: {  	s7 =	sld [smem:$0x3FB4]  }
0x2d: {  	s3 =	simm.s32 $0x108;
	s8 =	sld [smem:$0x3FB5]  }
0x2e: {  	s3 =	simm.s32 @!p0 $0x1082;
	s9 =	sld [smem:$0x3FB6]  }
0x2f: {  	lr =	sadd.s32 s0, s3;
	s0 =	sld [smem:$0x3FAD]  }
0x30: {  	s3 =	sld [smem:$0x3FB0]  }
0x31: {  	[smem:$0x3FB9] =	sst s10  }
0x32: {  	s10 =	sld [smem:$0x3FB7];
	_ =	sdelay $0x3  }
0x33: {  	p0 =	seq.s32 s10, $0x1;
	s10 =	sld [smem:$0x3FB9];
	_ =	sdelay $0x3  }
0x34: {  	[smem:$0x3FB9] =	sst s10  }
0x35: {  	s10 =	sld [smem:$0x3FB8];
	_ =	sdelay $0x3  }
0x36: {  	p1 =	seq.s32 s10, $0x1;
	s10 =	sld [smem:$0x3FB9];
	_ =	sdelay $0x3  }
0x37: {  	[smem:$0x3FB9] =	sst s10  }
0x38: {  	s10 =	sld [smem:$0x3FBA]  }
0x39: {  	_ = 	snop;
	(pc) =	sbr.ind lr, $3  }
0x3a: {  	_ = 	snop  }
0x3b: {  	_ = 	snop  }
0x3c: {  	p2 =	seq.s32 s10, $0x1;
	s10 =	sld [smem:$0x3FB9]  }
0x3d: {  	_ =	shalt  }
0x3e: {  	_ =	shalt  }
0x3f: {  	_ =	shalt  }
0x40: {  	_ =	shalt  }
0x41: {  	_ =	shalt  }
0x42: {  	_ =	shalt  }
0x43: {  	_ =	shalt  }
0x44: {  	_ =	shalt  }
0x45: {  	_ =	shalt  }
0x46: {  	_ =	shalt  }
0x47: {  	_ =	shalt  }
0x48: {  	_ =	shalt  }
0x49: {  	_ =	shalt  }
0x4a: {  	_ =	shalt  }
0x4b: {  	_ =	shalt  }
0x4c: {  	_ =	shalt  }
0x4d: {  	_ =	shalt  }
0x4e: {  	_ =	shalt  }
0x4f: {  	_ =	shalt  }
0x50: {  	_ =	shalt  }
0x51: {  	_ =	shalt  }
0x52: {  	_ =	shalt  }
0x53: {  	_ =	shalt  }
0x54: {  	_ =	shalt  }
0x55: {  	_ =	shalt  }
0x56: {  	_ =	shalt  }
0x57: {  	_ =	shalt  }
0x58: {  	_ =	shalt  }
0x59: {  	_ =	shalt  }
0x5a: {  	_ =	shalt  }
0x5b: {  	_ =	shalt  }
0x5c: {  	_ =	shalt  }
0x5d: {  	_ =	shalt  }
0x5e: {  	_ =	shalt  }
0x5f: {  	_ =	shalt  }
0x60: {  	_ =	shalt  }
0x61: {  	_ =	shalt  }
0x62: {  	_ =	shalt  }
0x63: {  	_ =	shalt  }
0x64: {  	_ =	shalt  }
0x65: {  	_ =	shalt  }
0x66: {  	_ =	shalt  }
0x67: {  	_ =	shalt  }
0x68: {  	_ =	shalt  }
0x69: {  	_ =	shalt  }
0x6a: {  	_ =	shalt  }
0x6b: {  	_ =	shalt  }
0x6c: {  	_ =	shalt  }
0x6d: {  	_ =	shalt  }
0x6e: {  	_ =	shalt  }
0x6f: {  	_ =	shalt  }
0x70: {  	_ =	shalt  }
0x71: {  	_ =	shalt  }
0x72: {  	_ =	shalt  }
0x73: {  	_ =	shalt  }
0x74: {  	_ =	shalt  }
0x75: {  	_ =	shalt  }
0x76: {  	_ =	shalt  }
0x77: {  	_ =	shalt  }
0x78: {  	_ =	shalt  }
0x79: {  	_ =	shalt  }
0x7a: {  	_ =	shalt  }
0x7b: {  	_ =	shalt  }
0x7c: {  	_ =	shalt  }
0x7d: {  	_ =	shalt  }
0x7e: {  	_ =	shalt  }
0x7f: {  	_ =	shalt  }
0x80: {  	_ =	shalt  }
0x81: {  	_ =	shalt  }
0x82: {  	_ =	shalt  }
0x83: {  	_ =	shalt  }
0x84: {  	_ =	shalt  }
0x85: {  	_ =	shalt  }
0x86: {  	_ =	shalt  }
0x87: {  	_ =	shalt  }
.Lfunc_end0:
.L_simem_size_0:
called_computation.2_lowered:
.L_overlay_start_0:
0x88: {  	s2 =	sld [smem:$0x3FD9]  }
0x89: {  	s3 =	sld [smem:$0x3FFE];
	_ =	sdelay $0x1  }
0x8a: {  	s1 =	srdreg.scid  }
0x8b: {  	s0 =	sand.u32 $0x1, s1  }
0x8c: {  	s17 =	sshll.u32 s0, $0xA;
	s2 =	sadd.s32 s3, s2  }
0x8d: {  	s2 =	sadd.s32 s2, s17  }
0x8e: {  	[smem:$0x3FC5] =	sst s2  }
0x8f: {  	_ = 	snop  }
0x90: {  	s18 =	sld [smem:$0x3FC7]  }
0x91: {  	s4 =	sld [smem:$0x3FD0];
	(tm) =	ssettm $0x1  }
0x92: {  	s19 =	sld [smem:$0x3FFB];
	_ =	sdelay $0x3  }
0x93: {  	_ =	strace s19  }
0x94: {  	s2 =	sld [smem:$0x3FFC];
	_ =	sdelay $0x3  }
0x95: {  	_ =	strace s2  }
0x96: {  	s2 =	sld [smem:$0x3FFD];
	_ =	sdelay $0x3  }
0x97: {  	_ =	strace s2  }
0x98: {  	_ =	strace $0x8FFFFFFF  }
0x99: {  	s20 =	sld [smem:$0x3FDB];
	_ =	sdelay $0x1  }
0x9a: {  	s5 =	simm.s32 $_scs_section_size  }
0x9b: {  	s6 =	simm.s32 $_size__tile_overlayer_lowered;
	s7 =	simm.s32 $_tile_overlayer_lowered  }
0x9c: {  	s8 =	simm.s32 $0x1BFF;
	s21 =	sshll.u32 s7, $0x1;
	s5 =	sadd.s32 s5, s20  }
0x9d: {  	s22 =	simm.s32 $0x0;
	s6 =	sshll.u32 s6, $0x1;
	s7 =	sadd.s32 s21, s5  }
0x9e: {  	[timem:s22], [sflag:s8] =	dma.local [hbm:s7], s6  }
0x9f: {  	_ =	swait.ge [sflag:s8], s6  }
0xa0: {  	s6 =	ssub.s32 $0x0, s6;
	[sflag:s8] =	ssyncset.done $0x0  }
0xa1: {  	[sflag:s8] =	ssyncadd.s32 s6;
	_ =	sdelay $0x1  }
0xa2: {  	s23 =	simm.s32 $0x1B8B  }
0xa3: {  	_ =	swait.ge [sflag:s23], $0x1  }
0xa4: {  	[sflag:s23] =	ssyncset.done $0x0  }
0xa5: {  	[sflag:s23] =	ssyncadd.s32 $0xFFFFFFFF  }
0xa6: {  	s6 =	sld [smem:$0x0]  }
0xa7: {  	s7 =	sand.u32 $0xFFFFFFFE, s1  }
0xa8: {  	p0 =	sne.s32 s1, s7  }
0xa9: {  	s7 =	sshll.u32 @p0 s7, $0xE  }
0xaa: {  	s7 =	sadd.s32 @p0 $0x11B8D, s7;
	s8 =	sshll.u32 @p0 s6, $0x11  }
0xab: {  	s7 =	sor.u32 @p0 s8, s7  }
0xac: {  	[sflag:s7] =	ssyncadd.remote.s32 @p0 $0x1;
	_ =	sdelay $0x1  }
0xad: {  	s7 =	simm.s32 @p0 $0x1B8D  }
0xae: {  	_ =	swait.eq @p0 [sflag:s7], $0x1  }
0xaf: {  	[sflag:s7] =	ssyncadd.s32 @p0 $0xFFFFFFFF  }
0xb0: {  	s8 =	sshll.u32 @!p0 s1, $0xE  }
0xb1: {  	s8 =	sor.u32 @!p0 $0x4000, s8;
	s7 =	simm.s32 @!p0 $0x1B8D  }
0xb2: {  	s6 =	sshll.u32 @!p0 s6, $0x11;
	s8 =	sadd.s32 @!p0 $0x11B8D, s8;
	_ =	swait.eq @!p0 [sflag:s7], $0x1  }
0xb3: {  	s6 =	sor.u32 @!p0 s6, s8;
	[sflag:s7] =	ssyncadd.s32 @!p0 $0xFFFFFFFF  }
0xb4: {  	s25 =	simm.s32 $0x1B8E;
	s24 =	sld [smem:$0x3FFE];
	[sflag:s6] =	ssyncadd.remote.s32 @!p0 $0x1  }
0xb5: {  	s26 =	simm.s32 $execute0_lowered;
	[smem:$0x3FD2] =	sst s25  }
0xb6: {  	s7 =	sshll.u32 s26, $0x1;
	_ =	strace $0x80000049;
	[dreg:$0x1] =	wrdreg $0xFFFFFFFF  }
0xb7: {  	s28 =	simm.s32 $_size_execute0_lowered;
	s5 =	sadd.s32 s5, s7;
	[dreg:$0x0] =	wrdreg $0x0  }
0xb8: {  	s7 =	sshll.u32 s28, $0x1;
	[dreg:$0x2] =	wrdreg s5  }
0xb9: {  	[dreg:$0x3] =	wrdreg s7  }
0xba: {  	[dreg:$0x4] =	wrdreg $0xC0  }
0xbb: {  	_ =	task [dreg:s22], $0x5FFFF  }
0xbc: {  	[dreg:$0x1] =	wrdreg $0xFFFFFFFF  }
0xbd: {  	[dreg:$0x0] =	wrdreg $0x60  }
0xbe: {  	[dreg:$0x2] =	wrdreg s18  }
0xbf: {  	[dreg:$0x3] =	wrdreg s4  }
0xc0: {  	[dreg:$0x4] =	wrdreg s24  }
0xc1: {  	[dreg:$0x5] =	wrdreg $0x9  }
0xc2: {  	_ =	task.clear_ibuf [dreg:s22], $0x6FFFF;
	_ =	strace $0x90000049  }
0xc3: {  	s29 =	simm.s32 $0x9;
	_ =	strace $0x8000004B  }
0xc4: {  	_ =	swait.ge [sflag:s29], $0x1  }
0xc5: {  	[sflag:s29] =	ssyncadd.s32 $0xFFFFFFFF  }
0xc6: {  	_ =	strace $0x9000004B  }
0xc7: {  	_ =	sfence  }
0xc8: {  	s30 =	sld [smem:$0x0];
	_ =	sdelay $0x2  }
0xc9: {  	s31 =	sshll.u32 s1, $0xD;
	s1 =	sshrl.u32 s1, $0x2  }
0xca: {  	s4 =	sand.u32 $0x4000, s31;
	s1 =	sadd.s32 s1, s30  }
0xcb: {  	s0 =	sor.u32 s4, s0;
	s1 =	sshll.u32 s1, $0x11  }
0xcc: {  	s0 =	sor.u32 s1, s0  }
0xcd: {  	s0 =	sadd.s32 $0x8F2B, s0  }
0xce: {  	[sflag:s0] =	ssyncadd.remote.s32 $0x1  }
0xcf: {  	_ =	sfence.sel $0xFFFF  }
0xd0: {  	[dreg:$0x0] =	wrdreg $0xFFFFFFFF;
	(pc) =	sbr.abs _section_cstart, $3  }
0xd1: {  	[dreg:$0x1] =	wrdreg $0xFFFFFFFF  }
0xd2: {  	_ =	task.clear_ibuf [dreg:s22], $0x2FFFF;
	_ =	strace $0x9FFFFFFF  }
0xd3: {  	(tm) =	ssettm $0x7FFFFFFF  }
tec
execute0_lowered:
.L_overlay_start_1:
0x0: {  	(tag) =	ssettag $0x1  }
0x1: {  	s2 =	rddreg [dreg:$0x0]  }
0x2: {  	s1 =	srdreg.scid;
	s3 =	rddreg [dreg:$0x1]  }
0x3: {  	s0 =	stileid.u32;
	s5 =	rddreg [dreg:$0x2]  }
0x4: {  	s9 =	simm.s32 $0x1;
	s10 =	simm.s32 $0x3;
	s1 =	sshll.u32 s1, $0x7  }
0x5: {  	s13 =	simm.s32 $0x0;
	s4 =	sshll.u32 s0, $0x8;
	s6 =	sand.u32 $0x80, s1  }
0x6: {  	s12 =	simm.s32 $0x0;
	s5 =	sadd.s32 $0x11800, s5;
	s4 =	sor.u32 s4, s6  }
0x7: {  	s1 =	rddreg [dreg:$0x3];
	_ =	strace $0x8000004A;
	s8 =	ssub.s32 $0x2F00, s4  }
.Ltmp0:
0x8: {  	s6 =	simm.s32 $0x1;
	s7 =	sand.u32 $0xF80, s8;
	(pc) =	sbr.rel .LBB2_1-.Ltmp0, $4  }
0x9: {  	[sflag:s6] =	ssyncpa.u1 $0x0;
	s11 =	smov.u32 s4;
	p0 =	sne.s32 s7, $0x0  }
0xa: {  	s8 =	sshrl.u32 s8, $0xC;
	s7 =	simm.s32 $0x2;
	s9 =	simm.s32 @!p0 $0x0  }
0xb: {  	[sflag:s7] =	ssyncpa.u1 $0x0;
	p0 =	por $0x0, $0x0;
	s8 =	sadd.s32 s9, s8  }
0xc: {  	vm0 =	vmmov $0xffff;
	v0 =	vimm.s32 $0x0;
	v1 =	vlaneseq.u32;
	[sflag:s10] =	ssyncpa.u1 $0x0;
	s10 =	simm.s32 $0x0;
	s9 =	sadd.s32 $0x1, s8  }
.LBB2_4:
0xd: {  	_ =	sdelay $0x3  }
0xe: {  	[tilespmem:s21], [sflag:$0x1] =	stream.indirect_vreg.gather [hbm4b:s2+s10], $0x1, v2, vm0, $0x4038;
	[tilespmem:$0x500] =	vst v63  }
0xf: {  	s15 =	sadd.s32 s17, s15  }
0x10: {  	v2 =	vld.msk [tilespmem:s15+$0x0 ss:$0x1], $0xffff;
	_ =	sdelay $0x4  }
0x11: {  	v3 =	vshrl.u32 v2, $0x1  }
0x12: {  	v4 =	vand.u32 $0x1, v2;
	vm1 =	veq.s32 v2, $0x80000000;
	v2 =	vand.u32 $0x3FFFF, v3  }
0x13: {  	p1 =	sgt.s32 s18, $0x0;
	vm2 =	veq.s32 v4, $0x1;
	v2 =	vsel vm1, $0xFFFFFFFF, v2  }
0x14: {  	s18 =	simm.s32 @!p1 $0x0;
	v3 =	vsel vm2, $0xFFC00, v0;
	v61 =	vshll.u32 v2, $0x2  }
0x15: {  	s26 =	smin.u32 s18, $0x10;
	v3 =	vsel vm1, $0xFFF00400, v3;
	v4 =	vand.u32 $0xFFFFFE00, v61  }
0x16: {  	v62 =	vmov s26;
	v2 =	vand.u32 $0x7F, v2;
	v3 =	vadd.s32 v3, v4  }
0x17: {  	vm1 =	vgt.u32 v62, v1;
	v2 =	vor.u32 v2, v3  }
0x18: {  	v3 =	vnsel vm1, $0x7FFFFFFF, v2;
	_ =	sdelay $0x1  }
0x19: {  	v63 =	vor.u32 $0x80, v2  }
0x1a: {  	(ifvalue) =	ssetifvalue $0x7FFFFFFF;
	v4 =	vnsel vm1, $0x7FFFFFFF, v63  }
0x1b: {  	s28 =	sadd.s32 s17, s16;
	(ifvalue) =	ssetifvalue $0x7FFFFFFF  }
0x1c: {  	v5 =	vor.u32 $0x100, v2;
	[tilespmem:s28], [sflag:$0x1] =	stream.indirect_vreg.gather [hbm4b:s2+s10], $0x1, v3, vm0, $0x4038;
	[tilespmem:$0x500] =	vst v63  }
0x1d: {  	(ifvalue) =	ssetifvalue $0x7FFFFFFF;
	v3 =	vnsel vm1, $0x7FFFFFFF, v5  }
0x1e: {  	s16 =	sadd.s32 $0x80, s28;
	(ifvalue) =	ssetifvalue $0x7FFFFFFF  }
0x1f: {  	v2 =	vor.u32 $0x180, v2;
	[tilespmem:s16], [sflag:$0x1] =	stream.indirect_vreg.gather [hbm4b:s2+s10], $0x1, v4, vm0, $0x4038;
	[tilespmem:$0x500] =	vst v63  }
0x20: {  	v2 =	vnsel vm1, $0x7FFFFFFF, v2;
	(ifvalue) =	ssetifvalue $0x7FFFFFFF  }
0x21: {  	s29 =	sadd.s32 $0x100, s28;
	(ifvalue) =	ssetifvalue $0x7FFFFFFF  }
0x22: {  	[tilespmem:s29], [sflag:$0x1] =	stream.indirect_vreg.gather [hbm4b:s2+s10], $0x1, v3, vm0, $0x4038;
	[tilespmem:$0x500] =	vst v63  }
0x23: {  	(ifvalue) =	ssetifvalue $0x7FFFFFFF  }
0x24: {  	s30 =	sshll.u32 s13, $0x2;
	s15 =	sadd.s32 $0x180, s28;
	(ifvalue) =	ssetifvalue $0x7FFFFFFF  }
0x25: {  	[tilespmem:s15], [sflag:$0x1] =	stream.indirect_vreg.gather [hbm4b:s2+s10], $0x1, v2, vm0, $0x4038;
	[tilespmem:$0x500] =	vst v63  }
0x26: {  	s31 =	sand.u32 $0x78, s13;
	s15 =	sand.u32 $0xFFFFFE00, s30  }
0x27: {  	_ =	swait.ge [sflag:s6], $0x200;
	s13 =	sor.u32 s31, s15  }
0x28: {  	[sflag:s6] =	ssyncset.done $0x0;
	s13 =	sshrl.u32 s13, $0x3  }
0x29: {  	[sflag:s6] =	ssyncadd.s32 $0xFFFFFE00;
	s13 =	sadd.s32 s5, s13  }
0x2a: {  	[hbm:s13] =	stream.linear.scatter [tilespmem:s14], [sflag:$0x3], $0x200, $0x38;
	[tilespmem:$0x500] =	vst v63  }
.LBB2_5:
0x2b: {  	s15 =	sadd.s32 $0x1000, s11  }
0x2c: {  	p2 =	sgt.s32 s15, $0x2EFF  }
0x2d: {  	s15 =	smov.u32 @p2 s4;
	p2 =	sne.s32 s12, s9  }
.Ltmp1:
0x2e: {  	p1 =	slt.u32 s12, $0x2;
	(pc) =	sbr.rel @!p2 .LBB2_6-.Ltmp1, $4  }
0x2f: {  	s14 =	simm.s32 @!p1 $0x3  }
0x30: {  	s16 =	sadd.s32 $0x1, s12;
	_ =	swait.ge @!p1 [sflag:s14], $0x200  }
0x31: {  	s13 =	smov.u32 s11;
	p0 =	por !p0, !p0;
	[sflag:s14] =	ssyncset.done @!p1 $0x0  }
0x32: {  	s12 =	smov.u32 s16;
	s11 =	smov.u32 s15;
	[sflag:s14] =	ssyncadd.s32 @!p1 $0xFFFFFE00  }
.LBB2_1:
0x33: {  	p1 =	sge.u32 s12, s8  }
0x34: {  	s14 =	sxor.u32 @!p1 $0xFFFFFFFF, s12  }
0x35: {  	s31 =	sadd.s32 $0xFFFFFFFF, s12;
	s15 =	sshrl.u32 @!p1 s11, $0x3;
	s14 =	sshll.u32 @!p1 s14, $0x7  }
0x36: {  	s16 =	sand.u32 @!p1 $0x7, s11;
	s15 =	sadd.s32 @!p1 s3, s15;
	s14 =	sand.u32 @!p1 $0x80, s14  }
0x37: {  	[tilespmem:s14], [sflag:$0x2] =	stream.linear.gather @!p1 [hbm4b:s15+s16], $0x80, $0x38;
	[tilespmem:$0x500] =	vst v63  }
0x38: {  	p1 =	sge.u32 s31, s8  }
.Ltmp2:
0x39: {  	_ = 	snop;
	(pc) =	sbr.rel @p1 .LBB2_5-.Ltmp2, $1  }
0x3a: {  	_ =	sdelay $0x3  }
0x3b: {  	s14 =	simm.s32 $0x1  }
0x3c: {  	_ =	swait.ge [sflag:s7], $0x80;
	s14 =	simm.s32 @!p0 $0x0  }
0x3d: {  	[sflag:s7] =	ssyncset.done $0x0;
	s15 =	sshll.u32 s14, $0x7  }
0x3e: {  	[sflag:s7] =	ssyncadd.s32 $0xFFFFFF80;
	s16 =	sadd.s32 $0x0, s15  }
0x3f: {  	v2 =	vld.msk [tilespmem:s16+$0x0 ss:$0x1], $0xffff;
	_ =	sdelay $0x3  }
0x40: {  	s18 =	ssub.s32 $0x2EE0, s13  }
0x41: {  	p1 =	slt.s32 s18, $0x80;
	v3 =	vshrl.u32 v2, $0x1  }
0x42: {  	s18 =	simm.s32 @!p1 $0x80;
	v4 =	vand.u32 $0x1, v2;
	vm1 =	veq.s32 v2, $0x80000000;
	v2 =	vand.u32 $0x3FFFF, v3  }
0x43: {  	p1 =	sgt.s32 s18, $0x0;
	s16 =	smov.u32 s18;
	vm2 =	veq.s32 v4, $0x1;
	v2 =	vsel vm1, $0xFFFFFFFF, v2  }
0x44: {  	s16 =	simm.s32 @!p1 $0x0;
	v3 =	vsel vm2, $0xFFC00, v0;
	v61 =	vshll.u32 v2, $0x2  }
0x45: {  	s16 =	smin.u32 s16, $0x10;
	v3 =	vsel vm1, $0xFFF00400, v3;
	v4 =	vand.u32 $0xFFFFFE00, v61  }
0x46: {  	v62 =	vmov s16;
	v2 =	vand.u32 $0x7F, v2;
	v3 =	vadd.s32 v3, v4  }
0x47: {  	vm1 =	vgt.u32 v62, v1;
	v2 =	vor.u32 v2, v3  }
0x48: {  	v3 =	vnsel vm1, $0x7FFFFFFF, v2;
	_ =	sdelay $0x1  }
0x49: {  	s14 =	sshll.u32 s14, $0x9;
	v63 =	vor.u32 $0x80, v2  }
0x4a: {  	(ifvalue) =	ssetifvalue $0x7FFFFFFF;
	s16 =	sor.u32 $0x100, s14;
	v4 =	vnsel vm1, $0x7FFFFFFF, v63  }
0x4b: {  	(ifvalue) =	ssetifvalue $0x7FFFFFFF;
	s19 =	sadd.s32 $0x0, s16  }
0x4c: {  	v5 =	vor.u32 $0x100, v2;
	[tilespmem:s19], [sflag:$0x1] =	stream.indirect_vreg.gather [hbm4b:s2+s10], $0x1, v3, vm0, $0x4038;
	[tilespmem:$0x500] =	vst v63  }
0x4d: {  	(ifvalue) =	ssetifvalue $0x7FFFFFFF;
	v3 =	vnsel vm1, $0x7FFFFFFF, v5  }
0x4e: {  	s17 =	sadd.s32 $0x80, s19;
	(ifvalue) =	ssetifvalue $0x7FFFFFFF  }
0x4f: {  	v2 =	vor.u32 $0x180, v2;
	[tilespmem:s17], [sflag:$0x1] =	stream.indirect_vreg.gather [hbm4b:s2+s10], $0x1, v4, vm0, $0x4038;
	[tilespmem:$0x500] =	vst v63  }
0x50: {  	s30 =	sshll.u32 s12, $0x9;
	s20 =	simm.s32 $0x80;
	v2 =	vnsel vm1, $0x7FFFFFFF, v2;
	(ifvalue) =	ssetifvalue $0x7FFFFFFF  }
0x51: {  	s14 =	sand.u32 $0x200, s30;
	s31 =	sadd.s32 $0x100, s19;
	(ifvalue) =	ssetifvalue $0x7FFFFFFF  }
0x52: {  	[tilespmem:s31], [sflag:$0x1] =	stream.indirect_vreg.gather [hbm4b:s2+s10], $0x1, v3, vm0, $0x4038;
	[tilespmem:$0x500] =	vst v63  }
0x53: {  	s18 =	sadd.s32 $0xFFFFFFF0, s18;
	s14 =	sor.u32 $0x100, s14;
	(ifvalue) =	ssetifvalue $0x7FFFFFFF  }
0x54: {  	s21 =	sadd.s32 $0x180, s19;
	s17 =	simm.s32 $0x10;
	(ifvalue) =	ssetifvalue $0x7FFFFFFF  }
.LBB2_3:
0x55: {  	[tilespmem:s21], [sflag:$0x1] =	stream.indirect_vreg.gather [hbm4b:s2+s10], $0x1, v2, vm0, $0x4038;
	[tilespmem:$0x500] =	vst v63  }
0x56: {  	s19 =	smov.u32 s20  }
0x57: {  	s22 =	sadd.s32 s17, s15;
	s21 =	sshra.s32 s19, $0x2;
	s19 =	sadd.s32 $0x40, s20  }
0x58: {  	p1 =	sne.s32 s20, $0x1C0;
	v2 =	vld.msk [tilespmem:s22+$0x0 ss:$0x1], $0xffff  }
0x59: {  	(ifvalue) =	ssetifvalue $0x7FFFFFFF;
	_ =	sdelay $0x4  }
0x5a: {  	v3 =	vshrl.u32 v2, $0x1;
	v4 =	vand.u32 $0x1, v2  }
0x5b: {  	vm1 =	veq.s32 v2, $0x80000000;
	v2 =	vand.u32 $0x3FFFF, v3;
	vm2 =	veq.s32 v4, $0x1  }
0x5c: {  	p2 =	sgt.s32 s18, $0x0;
	s20 =	smov.u32 s18;
	v2 =	vsel vm1, $0xFFFFFFFF, v2;
	v3 =	vsel vm2, $0xFFC00, v0  }
0x5d: {  	s20 =	simm.s32 @!p2 $0x0;
	v3 =	vsel vm1, $0xFFF00400, v3;
	v4 =	vshll.u32 v2, $0x2  }
0x5e: {  	s20 =	smin.u32 s20, $0x10;
	v4 =	vand.u32 $0xFFFFFE00, v4  }
0x5f: {  	v2 =	vand.u32 $0x7F, v2;
	v3 =	vadd.s32 v3, v4;
	v4 =	vmov s20  }
0x60: {  	v2 =	vor.u32 v2, v3;
	vm1 =	vgt.u32 v4, v1  }
0x61: {  	v3 =	vnsel vm1, $0x7FFFFFFF, v2;
	v4 =	vor.u32 $0x80, v2;
	v5 =	vor.u32 $0x100, v2  }
0x62: {  	v2 =	vor.u32 $0x180, v2;
	_ =	sdelay $0x1  }
0x63: {  	v4 =	vnsel vm1, $0x7FFFFFFF, v4  }
0x64: {  	s20 =	sadd.s32 s17, s16;
	s17 =	smov.u32 s21;
	(ifvalue) =	ssetifvalue $0x7FFFFFFF  }
0x65: {  	[tilespmem:s20], [sflag:$0x1] =	stream.indirect_vreg.gather [hbm4b:s2+s10], $0x1, v3, vm0, $0x4038;
	[tilespmem:$0x500] =	vst v63  }
0x66: {  	v3 =	vnsel vm1, $0x7FFFFFFF, v5;
	(ifvalue) =	ssetifvalue $0x7FFFFFFF  }
0x67: {  	s21 =	sadd.s32 $0x80, s20;
	(ifvalue) =	ssetifvalue $0x7FFFFFFF  }
0x68: {  	[tilespmem:s21], [sflag:$0x1] =	stream.indirect_vreg.gather [hbm4b:s2+s10], $0x1, v4, vm0, $0x4038;
	[tilespmem:$0x500] =	vst v63  }
.Ltmp3:
0x69: {  	v2 =	vnsel vm1, $0x7FFFFFFF, v2;
	(ifvalue) =	ssetifvalue $0x7FFFFFFF;
	(pc) =	sbr.rel @p1 .LBB2_3-.Ltmp3, $4  }
0x6a: {  	s21 =	sadd.s32 $0x100, s20;
	(ifvalue) =	ssetifvalue $0x7FFFFFFF  }
0x6b: {  	[tilespmem:s21], [sflag:$0x1] =	stream.indirect_vreg.gather [hbm4b:s2+s10], $0x1, v3, vm0, $0x4038;
	[tilespmem:$0x500] =	vst v63  }
0x6c: {  	s18 =	sadd.s32 $0xFFFFFFF0, s18;
	(ifvalue) =	ssetifvalue $0x7FFFFFFF  }
0x6d: {  	s21 =	sadd.s32 $0x180, s20;
	s20 =	smov.u32 s19;
	(ifvalue) =	ssetifvalue $0x7FFFFFFF  }
.Ltmp4:
0x6e: {  	_ = 	snop;
	(pc) =	sbr.rel .LBB2_4-.Ltmp4, $1  }
0x6f: {  	_ =	sdelay $0x3  }
.LBB2_6:
0x70: {  	_ =	sfence.sel $0x180000  }
0x71: {  	s2 =	simm.s32 $0x2;
	[bflag:$0x0] =	sbarrier.arrive $0xFFFF  }
0x72: {  	s30 =	simm.s32 $0x3;
	[sflag:s2] =	ssyncpa.u1 $0x1  }
0x73: {  	s31 =	simm.s32 $0x1;
	[sflag:s30] =	ssyncpa.u1 $0x1  }
0x74: {  	[sflag:s31] =	ssyncpa.u1 $0x1  }
0x75: {  	p0 =	sne.s32 s0, $0x0;
	_ =	strace $0x9000004A  }
0x76: {  	s0 =	sadd.s32 @!p0 $0x100000, s1;
	[bflag:$0x2] =	sbarrier.arrive $0xFFFF  }
0x77: {  	[sflag:s0] =	ssyncadd.tile.s32 @!p0 $0x1;
	_ =	shalt  }
.Lfunc_end2:
_tile_overlayer_lowered:
.L_overlay_start_2:
0x78: {  	(tag) =	ssettag $0x2  }
0x79: {  	s0 =	rddreg [dreg:$0x0];
	s2 =	stileid.u32  }
0x7a: {  	s1 =	rddreg [dreg:$0x1];
	p0 =	sne.s32 s2, $0x0  }
0x7b: {  	s3 =	rddreg [dreg:$0x2];
	[bflag:$0x3] =	sbarrier.arrive $0xFFFF;
	s2 =	simm.s32 @!p0 $0x1C01  }
0x7c: {  	[timem:s3], [sflag:s2] =	dma.local @!p0 [hbm:s0], s1  }
0x7d: {  	s0 =	simm.s32 @!p0 $0x1  }
0x7e: {  	_ =	swait.ge @!p0 [sflag:s0], s1  }
0x7f: {  	s1 =	ssub.s32 @!p0 $0x0, s1;
	[sflag:s0] =	ssyncset.done @!p0 $0x0  }
0x80: {  	[sflag:s0] =	ssyncadd.s32 @!p0 s1  }
0x81: {  	[bflag:$0x3] =	sbarrier.arrive $0xFFFF  }
0x82: {  	_ =	shalt  }

// kernel: gather_offload_async_start.2
scs
__scs_entry_jumppad:
0x0: {  	(pc) =	sbr.rel $0x88, $3  }
0x1: {  	(tag) =	ssettag $0x0;
	lr =	simm.s32 $0x1  }
0x2: {  	[smem:$0x3F9E] =	sst lr;
	_ =	strace $0xD0000000  }
0x3: {  	_ = 	snop  }
0x4: {  	_ = 	snop  }
0x5: {  	_ = 	snop  }
0x6: {  	_ = 	snop  }
0x7: {  	_ = 	snop  }
__scs_overlays_trampoline_lowered:
0x8: {  	[smem:$0x3FAD] =	sst s0  }
0x9: {  	[smem:$0x3FAE] =	sst s1  }
0xa: {  	[smem:$0x3FAF] =	sst s2  }
0xb: {  	[smem:$0x3FB0] =	sst s3  }
0xc: {  	[smem:$0x3FB1] =	sst s4  }
0xd: {  	[smem:$0x3FB2] =	sst s5  }
0xe: {  	[smem:$0x3FB3] =	sst s6  }
0xf: {  	[smem:$0x3FB4] =	sst s7  }
0x10: {  	[smem:$0x3FB5] =	sst s8  }
0x11: {  	[smem:$0x3FB6] =	sst s9;
	s0 =	simm.s32 @!p0 $0x0  }
0x12: {  	s1 =	sld [smem:$0x3F9C];
	s0 =	simm.s32 @p0 $0x1  }
0x13: {  	[smem:$0x3FB7] =	sst s0;
	s0 =	simm.s32 @!p1 $0x0  }
0x14: {  	s2 =	sld [smem:$0x3F9B];
	s0 =	simm.s32 @p1 $0x1  }
0x15: {  	[smem:$0x3FB8] =	sst s0;
	s0 =	simm.s32 @!p2 $0x0  }
0x16: {  	s3 =	sld [smem:$0x3FDB];
	s0 =	simm.s32 @p2 $0x1  }
0x17: {  	s4 =	simm.s32 $0x1BF5;
	[smem:$0x3FBA] =	sst s0  }
0x18: {  	s0 =	sld [smem:$0x3F9D];
	_ =	swait.ge [sflag:s4], $0x0  }
0x19: {  	s7 =	sld [smem:$0x3F9E]  }
0x1a: {  	s8 =	sadd.s32 $0xFFFFE003, lr  }
0x1b: {  	s9 =	sadd.s32 $0xFFFFFEF7, lr;
	s5 =	simm.s32 $0xFFFFFFFF;
	p2 =	slt.u32 s8, $0xFFFFF086  }
0x1c: {  	p1 =	slt.u32 s9, $0xF7A;
	s5 =	simm.s32 @!p2 $0x0  }
0x1d: {  	s5 =	simm.s32 @p1 $0x1;
	p0 =	seq.s32 s7, s2  }
0x1e: {  	s7 =	smul.u32 @!p0 $0xF7A, s2;
	p2 =	seq.s32 @!p0 s5, $0x0  }
0x1f: {  	s9 =	smul.u32 $0xF7A, s1;
	s8 =	simm.s32 @!p0 $0x1BF5;
	p2 =	por !p2, p0  }
0x20: {  	[sflag:s8] =	ssyncset.s32 @!p0 $0xFFFFF086;
	s6 =	sadd.s32 @!p0 s3, s7;
	s7 =	simm.s32 @!p0 $0x108  }
0x21: {  	s3 =	sadd.s32 s3, s9;
	s6 =	sadd.s32 @!p0 $0x88, s6;
	s7 =	simm.s32 @p2 $0x1082  }
0x22: {  	[simem:s7], [sflag:s8] =	dma.local @!p0 [hbm:s6], $0xF7A  }
0x23: {  	s9 =	sor.u32 $0xD0000000, s2;
	s6 =	simm.s32 $0x108;
	_ =	swait.ge @!p0 [sflag:s8], $0x0  }
0x24: {  	s3 =	sadd.s32 $0x88, s3;
	s6 =	simm.s32 @!p1 $0x1082;
	[sflag:s4] =	ssyncset.s32 $0xFFFFF086  }
0x25: {  	[simem:s6], [sflag:s4] =	dma.local [hbm:s3], $0xF7A  }
0x26: {  	[smem:$0x3F9E] =	sst s1;
	(tag) =	ssettag s2;
	_ =	strace s9  }
0x27: {  	s1 =	sld [smem:$0x3FAE]  }
0x28: {  	s2 =	sld [smem:$0x3FAF]  }
0x29: {  	s4 =	sld [smem:$0x3FB1]  }
0x2a: {  	p0 =	seq.s32 s5, $0x0;
	s5 =	sld [smem:$0x3FB2]  }
0x2b: {  	s6 =	sld [smem:$0x3FB3]  }
0x2c: {  	s7 =	sld [smem:$0x3FB4]  }
0x2d: {  	s3 =	simm.s32 $0x108;
	s8 =	sld [smem:$0x3FB5]  }
0x2e: {  	s3 =	simm.s32 @!p0 $0x1082;
	s9 =	sld [smem:$0x3FB6]  }
0x2f: {  	lr =	sadd.s32 s0, s3;
	s0 =	sld [smem:$0x3FAD]  }
0x30: {  	s3 =	sld [smem:$0x3FB0]  }
0x31: {  	[smem:$0x3FB9] =	sst s10  }
0x32: {  	s10 =	sld [smem:$0x3FB7];
	_ =	sdelay $0x3  }
0x33: {  	p0 =	seq.s32 s10, $0x1;
	s10 =	sld [smem:$0x3FB9];
	_ =	sdelay $0x3  }
0x34: {  	[smem:$0x3FB9] =	sst s10  }
0x35: {  	s10 =	sld [smem:$0x3FB8];
	_ =	sdelay $0x3  }
0x36: {  	p1 =	seq.s32 s10, $0x1;
	s10 =	sld [smem:$0x3FB9];
	_ =	sdelay $0x3  }
0x37: {  	[smem:$0x3FB9] =	sst s10  }
0x38: {  	s10 =	sld [smem:$0x3FBA]  }
0x39: {  	_ = 	snop;
	(pc) =	sbr.ind lr, $3  }
0x3a: {  	_ = 	snop  }
0x3b: {  	_ = 	snop  }
0x3c: {  	p2 =	seq.s32 s10, $0x1;
	s10 =	sld [smem:$0x3FB9]  }
0x3d: {  	_ =	shalt  }
0x3e: {  	_ =	shalt  }
0x3f: {  	_ =	shalt  }
0x40: {  	_ =	shalt  }
0x41: {  	_ =	shalt  }
0x42: {  	_ =	shalt  }
0x43: {  	_ =	shalt  }
0x44: {  	_ =	shalt  }
0x45: {  	_ =	shalt  }
0x46: {  	_ =	shalt  }
0x47: {  	_ =	shalt  }
0x48: {  	_ =	shalt  }
0x49: {  	_ =	shalt  }
0x4a: {  	_ =	shalt  }
0x4b: {  	_ =	shalt  }
0x4c: {  	_ =	shalt  }
0x4d: {  	_ =	shalt  }
0x4e: {  	_ =	shalt  }
0x4f: {  	_ =	shalt  }
0x50: {  	_ =	shalt  }
0x51: {  	_ =	shalt  }
0x52: {  	_ =	shalt  }
0x53: {  	_ =	shalt  }
0x54: {  	_ =	shalt  }
0x55: {  	_ =	shalt  }
0x56: {  	_ =	shalt  }
0x57: {  	_ =	shalt  }
0x58: {  	_ =	shalt  }
0x59: {  	_ =	shalt  }
0x5a: {  	_ =	shalt  }
0x5b: {  	_ =	shalt  }
0x5c: {  	_ =	shalt  }
0x5d: {  	_ =	shalt  }
0x5e: {  	_ =	shalt  }
0x5f: {  	_ =	shalt  }
0x60: {  	_ =	shalt  }
0x61: {  	_ =	shalt  }
0x62: {  	_ =	shalt  }
0x63: {  	_ =	shalt  }
0x64: {  	_ =	shalt  }
0x65: {  	_ =	shalt  }
0x66: {  	_ =	shalt  }
0x67: {  	_ =	shalt  }
0x68: {  	_ =	shalt  }
0x69: {  	_ =	shalt  }
0x6a: {  	_ =	shalt  }
0x6b: {  	_ =	shalt  }
0x6c: {  	_ =	shalt  }
0x6d: {  	_ =	shalt  }
0x6e: {  	_ =	shalt  }
0x6f: {  	_ =	shalt  }
0x70: {  	_ =	shalt  }
0x71: {  	_ =	shalt  }
0x72: {  	_ =	shalt  }
0x73: {  	_ =	shalt  }
0x74: {  	_ =	shalt  }
0x75: {  	_ =	shalt  }
0x76: {  	_ =	shalt  }
0x77: {  	_ =	shalt  }
0x78: {  	_ =	shalt  }
0x79: {  	_ =	shalt  }
0x7a: {  	_ =	shalt  }
0x7b: {  	_ =	shalt  }
0x7c: {  	_ =	shalt  }
0x7d: {  	_ =	shalt  }
0x7e: {  	_ =	shalt  }
0x7f: {  	_ =	shalt  }
0x80: {  	_ =	shalt  }
0x81: {  	_ =	shalt  }
0x82: {  	_ =	shalt  }
0x83: {  	_ =	shalt  }
0x84: {  	_ =	shalt  }
0x85: {  	_ =	shalt  }
0x86: {  	_ =	shalt  }
0x87: {  	_ =	shalt  }
.Lfunc_end0:
.L_simem_size_0:
called_computation.3_lowered:
.L_overlay_start_0:
0x88: {  	s2 =	sld [smem:$0x3FD9]  }
0x89: {  	s3 =	sld [smem:$0x3FFE];
	_ =	sdelay $0x1  }
0x8a: {  	s1 =	srdreg.scid  }
0x8b: {  	s0 =	sand.u32 $0x1, s1  }
0x8c: {  	s17 =	sshll.u32 s0, $0xA;
	s2 =	sadd.s32 s3, s2  }
0x8d: {  	s2 =	sadd.s32 s2, s17  }
0x8e: {  	[smem:$0x3FC5] =	sst s2  }
0x8f: {  	_ = 	snop  }
0x90: {  	s2 =	sld [smem:$0x3FC8]  }
0x91: {  	s18 =	sld [smem:$0x3FD0];
	(tm) =	ssettm $0x1  }
0x92: {  	s4 =	sld [smem:$0x3FFB];
	_ =	sdelay $0x3  }
0x93: {  	_ =	strace s4  }
0x94: {  	s4 =	sld [smem:$0x3FFC];
	_ =	sdelay $0x3  }
0x95: {  	_ =	strace s4  }
0x96: {  	s4 =	sld [smem:$0x3FFD];
	_ =	sdelay $0x3  }
0x97: {  	_ =	strace s4  }
0x98: {  	_ =	strace $0x8FFFFFFF  }
0x99: {  	s19 =	sld [smem:$0x3FDB];
	_ =	sdelay $0x1  }
0x9a: {  	s5 =	simm.s32 $_scs_section_size  }
0x9b: {  	s6 =	simm.s32 $_size__tile_overlayer_lowered;
	s7 =	simm.s32 $_tile_overlayer_lowered  }
0x9c: {  	s22 =	simm.s32 $0x1BFF;
	s21 =	sshll.u32 s7, $0x1;
	s4 =	sadd.s32 s5, s19  }
0x9d: {  	s8 =	simm.s32 $0x0;
	s20 =	sshll.u32 s6, $0x1;
	s6 =	sadd.s32 s21, s4  }
0x9e: {  	[timem:s8], [sflag:s22] =	dma.local [hbm:s6], s20  }
0x9f: {  	_ =	swait.ge [sflag:s22], s20  }
0xa0: {  	s5 =	ssub.s32 $0x0, s20;
	[sflag:s22] =	ssyncset.done $0x0  }
0xa1: {  	[sflag:s22] =	ssyncadd.s32 s5;
	_ =	sdelay $0x1  }
0xa2: {  	s23 =	simm.s32 $0x1B8B  }
0xa3: {  	_ =	swait.ge [sflag:s23], $0x1  }
0xa4: {  	[sflag:s23] =	ssyncset.done $0x0  }
0xa5: {  	s25 =	simm.s32 $0x1B8E;
	s24 =	sld [smem:$0x3FFE];
	[sflag:s23] =	ssyncadd.s32 $0xFFFFFFFF  }
0xa6: {  	s26 =	simm.s32 $execute0_lowered;
	[smem:$0x3FD2] =	sst s25  }
0xa7: {  	s6 =	sshll.u32 s26, $0x1;
	_ =	strace $0x80000046;
	[dreg:$0x1] =	wrdreg $0xFFFFFFFF  }
0xa8: {  	s28 =	simm.s32 $_size_execute0_lowered;
	s4 =	sadd.s32 s4, s6;
	[dreg:$0x0] =	wrdreg $0x0  }
0xa9: {  	s6 =	sshll.u32 s28, $0x1;
	[dreg:$0x2] =	wrdreg s4  }
0xaa: {  	[dreg:$0x3] =	wrdreg s6  }
0xab: {  	[dreg:$0x4] =	wrdreg $0xC0  }
0xac: {  	_ =	task [dreg:s8], $0x5FFFF  }
0xad: {  	[dreg:$0x1] =	wrdreg $0xFFFFFFFF  }
0xae: {  	[dreg:$0x0] =	wrdreg $0x60  }
0xaf: {  	[dreg:$0x2] =	wrdreg s2  }
0xb0: {  	[dreg:$0x3] =	wrdreg s18  }
0xb1: {  	[dreg:$0x4] =	wrdreg s24  }
0xb2: {  	[dreg:$0x5] =	wrdreg $0xA  }
0xb3: {  	_ =	task.clear_ibuf [dreg:s8], $0x6FFFF;
	_ =	strace $0x90000046  }
0xb4: {  	s29 =	simm.s32 $0xA;
	_ =	strace $0x80000048  }
0xb5: {  	_ =	swait.ge [sflag:s29], $0x1  }
0xb6: {  	[sflag:s29] =	ssyncadd.s32 $0xFFFFFFFF  }
0xb7: {  	_ =	strace $0x90000048  }
0xb8: {  	_ =	sfence  }
0xb9: {  	s30 =	sld [smem:$0x0];
	_ =	sdelay $0x2  }
0xba: {  	s31 =	sshll.u32 s1, $0xD;
	s1 =	sshrl.u32 s1, $0x2  }
0xbb: {  	s3 =	sand.u32 $0x4000, s31;
	s1 =	sadd.s32 s1, s30  }
0xbc: {  	s0 =	sor.u32 s3, s0;
	s1 =	sshll.u32 s1, $0x11  }
0xbd: {  	s0 =	sor.u32 s1, s0  }
0xbe: {  	s0 =	sadd.s32 $0x8F2B, s0  }
0xbf: {  	[sflag:s0] =	ssyncadd.remote.s32 $0x1  }
0xc0: {  	_ =	sfence.sel $0xFFFF  }
0xc1: {  	[dreg:$0x0] =	wrdreg $0xFFFFFFFF;
	(pc) =	sbr.abs _section_cstart, $3  }
0xc2: {  	[dreg:$0x1] =	wrdreg $0xFFFFFFFF  }
0xc3: {  	_ =	task.clear_ibuf [dreg:s8], $0x2FFFF;
	_ =	strace $0x9FFFFFFF  }
0xc4: {  	(tm) =	ssettm $0x7FFFFFFF  }
0xc5: {  	_ =	shalt  }
tec
execute0_lowered:
.L_overlay_start_1:
0x0: {  	(tag) =	ssettag $0x1  }
0x1: {  	s2 =	rddreg [dreg:$0x0]  }
0x2: {  	s1 =	srdreg.scid;
	s3 =	rddreg [dreg:$0x1]  }
0x3: {  	s0 =	stileid.u32;
	s5 =	rddreg [dreg:$0x2]  }
0x4: {  	s9 =	simm.s32 $0x1;
	s10 =	simm.s32 $0x3;
	s1 =	sshll.u32 s1, $0x7  }
0x5: {  	s13 =	simm.s32 $0x0;
	s4 =	sshll.u32 s0, $0x8;
	s6 =	sand.u32 $0x80, s1  }
0x6: {  	s12 =	simm.s32 $0x0;
	s5 =	sadd.s32 $0x10000, s5;
	s4 =	sor.u32 s4, s6  }
0x7: {  	s1 =	rddreg [dreg:$0x3];
	_ =	strace $0x80000047;
	s8 =	ssub.s32 $0x2F00, s4  }
.Ltmp0:
0x8: {  	s6 =	simm.s32 $0x1;
	s7 =	sand.u32 $0xF80, s8;
	(pc) =	sbr.rel .LBB2_1-.Ltmp0, $4  }
0x9: {  	[sflag:s6] =	ssyncpa.u1 $0x0;
	s11 =	smov.u32 s4;
	p0 =	sne.s32 s7, $0x0  }
0xa: {  	s8 =	sshrl.u32 s8, $0xC;
	s7 =	simm.s32 $0x2;
	s9 =	simm.s32 @!p0 $0x0  }
0xb: {  	[sflag:s7] =	ssyncpa.u1 $0x0;
	p0 =	por $0x0, $0x0;
	s8 =	sadd.s32 s9, s8  }
0xc: {  	vm0 =	vmmov $0xffff;
	v0 =	vimm.s32 $0x0;
	v1 =	vlaneseq.u32;
	[sflag:s10] =	ssyncpa.u1 $0x0;
	s10 =	simm.s32 $0x0;
	s9 =	sadd.s32 $0x1, s8  }
.LBB2_4:
0xd: {  	_ =	sdelay $0x3  }
0xe: {  	[tilespmem:s21], [sflag:$0x1] =	stream.indirect_vreg.gather [hbm4b:s2+s10], $0x1, v2, vm0, $0x4038;
	[tilespmem:$0x500] =	vst v63  }
0xf: {  	s15 =	sadd.s32 s17, s15  }
0x10: {  	v2 =	vld.msk [tilespmem:s15+$0x0 ss:$0x1], $0xffff;
	_ =	sdelay $0x4  }
0x11: {  	v3 =	vshrl.u32 v2, $0x1  }
0x12: {  	v4 =	vand.u32 $0x1, v2;
	vm1 =	veq.s32 v2, $0x80000000;
	v2 =	vand.u32 $0x3FFFF, v3  }
0x13: {  	p1 =	sgt.s32 s18, $0x0;
	vm2 =	veq.s32 v4, $0x1;
	v2 =	vsel vm1, $0xFFFFFFFF, v2  }
0x14: {  	s18 =	simm.s32 @!p1 $0x0;
	v3 =	vsel vm2, $0xFFC00, v0;
	v61 =	vshll.u32 v2, $0x2  }
0x15: {  	s26 =	smin.u32 s18, $0x10;
	v3 =	vsel vm1, $0xFFF00400, v3;
	v4 =	vand.u32 $0xFFFFFE00, v61  }
0x16: {  	v62 =	vmov s26;
	v2 =	vand.u32 $0x7F, v2;
	v3 =	vadd.s32 v3, v4  }
0x17: {  	vm1 =	vgt.u32 v62, v1;
	v2 =	vor.u32 v2, v3  }
0x18: {  	v3 =	vnsel vm1, $0x7FFFFFFF, v2;
	_ =	sdelay $0x1  }
0x19: {  	v63 =	vor.u32 $0x80, v2  }
0x1a: {  	(ifvalue) =	ssetifvalue $0x7FFFFFFF;
	v4 =	vnsel vm1, $0x7FFFFFFF, v63  }
0x1b: {  	s28 =	sadd.s32 s17, s16;
	(ifvalue) =	ssetifvalue $0x7FFFFFFF  }
0x1c: {  	v5 =	vor.u32 $0x100, v2;
	[tilespmem:s28], [sflag:$0x1] =	stream.indirect_vreg.gather [hbm4b:s2+s10], $0x1, v3, vm0, $0x4038;
	[tilespmem:$0x500] =	vst v63  }
0x1d: {  	(ifvalue) =	ssetifvalue $0x7FFFFFFF;
	v3 =	vnsel vm1, $0x7FFFFFFF, v5  }
0x1e: {  	s16 =	sadd.s32 $0x80, s28;
	(ifvalue) =	ssetifvalue $0x7FFFFFFF  }
0x1f: {  	v2 =	vor.u32 $0x180, v2;
	[tilespmem:s16], [sflag:$0x1] =	stream.indirect_vreg.gather [hbm4b:s2+s10], $0x1, v4, vm0, $0x4038;
	[tilespmem:$0x500] =	vst v63  }
0x20: {  	v2 =	vnsel vm1, $0x7FFFFFFF, v2;
	(ifvalue) =	ssetifvalue $0x7FFFFFFF  }
0x21: {  	s29 =	sadd.s32 $0x100, s28;
	(ifvalue) =	ssetifvalue $0x7FFFFFFF  }
0x22: {  	[tilespmem:s29], [sflag:$0x1] =	stream.indirect_vreg.gather [hbm4b:s2+s10], $0x1, v3, vm0, $0x4038;
	[tilespmem:$0x500] =	vst v63  }
0x23: {  	(ifvalue) =	ssetifvalue $0x7FFFFFFF  }
0x24: {  	s30 =	sshll.u32 s13, $0x2;
	s15 =	sadd.s32 $0x180, s28;
	(ifvalue) =	ssetifvalue $0x7FFFFFFF  }
0x25: {  	[tilespmem:s15], [sflag:$0x1] =	stream.indirect_vreg.gather [hbm4b:s2+s10], $0x1, v2, vm0, $0x4038;
	[tilespmem:$0x500] =	vst v63  }
0x26: {  	s31 =	sand.u32 $0x78, s13;
	s15 =	sand.u32 $0xFFFFFE00, s30  }
0x27: {  	_ =	swait.ge [sflag:s6], $0x200;
	s13 =	sor.u32 s31, s15  }
0x28: {  	[sflag:s6] =	ssyncset.done $0x0;
	s13 =	sshrl.u32 s13, $0x3  }
0x29: {  	[sflag:s6] =	ssyncadd.s32 $0xFFFFFE00;
	s13 =	sadd.s32 s5, s13  }
0x2a: {  	[hbm:s13] =	stream.linear.scatter [tilespmem:s14], [sflag:$0x3], $0x200, $0x38;
	[tilespmem:$0x500] =	vst v63  }
.LBB2_5:
0x2b: {  	s15 =	sadd.s32 $0x1000, s11  }
0x2c: {  	p2 =	sgt.s32 s15, $0x2EFF  }
0x2d: {  	s15 =	smov.u32 @p2 s4;
	p2 =	sne.s32 s12, s9  }
.Ltmp1:
0x2e: {  	p1 =	slt.u32 s12, $0x2;
	(pc) =	sbr.rel @!p2 .LBB2_6-.Ltmp1, $4  }
0x2f: {  	s14 =	simm.s32 @!p1 $0x3  }
0x30: {  	s16 =	sadd.s32 $0x1, s12;
	_ =	swait.ge @!p1 [sflag:s14], $0x200  }
0x31: {  	s13 =	smov.u32 s11;
	p0 =	por !p0, !p0;
	[sflag:s14] =	ssyncset.done @!p1 $0x0  }
0x32: {  	s12 =	smov.u32 s16;
	s11 =	smov.u32 s15;
	[sflag:s14] =	ssyncadd.s32 @!p1 $0xFFFFFE00  }
.LBB2_1:
0x33: {  	p1 =	sge.u32 s12, s8  }
0x34: {  	s14 =	sxor.u32 @!p1 $0xFFFFFFFF, s12  }
0x35: {  	s31 =	sadd.s32 $0xFFFFFFFF, s12;
	s15 =	sshrl.u32 @!p1 s11, $0x3;
	s14 =	sshll.u32 @!p1 s14, $0x7  }
0x36: {  	s16 =	sand.u32 @!p1 $0x7, s11;
	s15 =	sadd.s32 @!p1 s3, s15;
	s14 =	sand.u32 @!p1 $0x80, s14  }
0x37: {  	[tilespmem:s14], [sflag:$0x2] =	stream.linear.gather @!p1 [hbm4b:s15+s16], $0x80, $0x38;
	[tilespmem:$0x500] =	vst v63  }
0x38: {  	p1 =	sge.u32 s31, s8  }
.Ltmp2:
0x39: {  	_ = 	snop;
	(pc) =	sbr.rel @p1 .LBB2_5-.Ltmp2, $1  }
0x3a: {  	_ =	sdelay $0x3  }
0x3b: {  	s14 =	simm.s32 $0x1  }
0x3c: {  	_ =	swait.ge [sflag:s7], $0x80;
	s14 =	simm.s32 @!p0 $0x0  }
0x3d: {  	[sflag:s7] =	ssyncset.done $0x0;
	s15 =	sshll.u32 s14, $0x7  }
0x3e: {  	[sflag:s7] =	ssyncadd.s32 $0xFFFFFF80;
	s16 =	sadd.s32 $0x0, s15  }
0x3f: {  	v2 =	vld.msk [tilespmem:s16+$0x0 ss:$0x1], $0xffff;
	_ =	sdelay $0x3  }
0x40: {  	s18 =	ssub.s32 $0x2EE0, s13  }
0x41: {  	p1 =	slt.s32 s18, $0x80;
	v3 =	vshrl.u32 v2, $0x1  }
0x42: {  	s18 =	simm.s32 @!p1 $0x80;
	v4 =	vand.u32 $0x1, v2;
	vm1 =	veq.s32 v2, $0x80000000;
	v2 =	vand.u32 $0x3FFFF, v3  }
0x43: {  	p1 =	sgt.s32 s18, $0x0;
	s16 =	smov.u32 s18;
	vm2 =	veq.s32 v4, $0x1;
	v2 =	vsel vm1, $0xFFFFFFFF, v2  }
0x44: {  	s16 =	simm.s32 @!p1 $0x0;
	v3 =	vsel vm2, $0xFFC00, v0;
	v61 =	vshll.u32 v2, $0x2  }
0x45: {  	s16 =	smin.u32 s16, $0x10;
	v3 =	vsel vm1, $0xFFF00400, v3;
	v4 =	vand.u32 $0xFFFFFE00, v61  }
0x46: {  	v62 =	vmov s16;
	v2 =	vand.u32 $0x7F, v2;
	v3 =	vadd.s32 v3, v4  }
0x47: {  	vm1 =	vgt.u32 v62, v1;
	v2 =	vor.u32 v2, v3  }
0x48: {  	v3 =	vnsel vm1, $0x7FFFFFFF, v2;
	_ =	sdelay $0x1  }
0x49: {  	s14 =	sshll.u32 s14, $0x9;
	v63 =	vor.u32 $0x80, v2  }
0x4a: {  	(ifvalue) =	ssetifvalue $0x7FFFFFFF;
	s16 =	sor.u32 $0x100, s14;
	v4 =	vnsel vm1, $0x7FFFFFFF, v63  }
0x4b: {  	(ifvalue) =	ssetifvalue $0x7FFFFFFF;
	s19 =	sadd.s32 $0x0, s16  }
0x4c: {  	v5 =	vor.u32 $0x100, v2;
	[tilespmem:s19], [sflag:$0x1] =	stream.indirect_vreg.gather [hbm4b:s2+s10], $0x1, v3, vm0, $0x4038;
	[tilespmem:$0x500] =	vst v63  }
0x4d: {  	(ifvalue) =	ssetifvalue $0x7FFFFFFF;
	v3 =	vnsel vm1, $0x7FFFFFFF, v5  }
0x4e: {  	s17 =	sadd.s32 $0x80, s19;
	(ifvalue) =	ssetifvalue $0x7FFFFFFF  }
0x4f: {  	v2 =	vor.u32 $0x180, v2;
	[tilespmem:s17], [sflag:$0x1] =	stream.indirect_vreg.gather [hbm4b:s2+s10], $0x1, v4, vm0, $0x4038;
	[tilespmem:$0x500] =	vst v63  }
0x50: {  	s30 =	sshll.u32 s12, $0x9;
	s20 =	simm.s32 $0x80;
	v2 =	vnsel vm1, $0x7FFFFFFF, v2;
	(ifvalue) =	ssetifvalue $0x7FFFFFFF  }
0x51: {  	s14 =	sand.u32 $0x200, s30;
	s31 =	sadd.s32 $0x100, s19;
	(ifvalue) =	ssetifvalue $0x7FFFFFFF  }
0x52: {  	[tilespmem:s31], [sflag:$0x1] =	stream.indirect_vreg.gather [hbm4b:s2+s10], $0x1, v3, vm0, $0x4038;
	[tilespmem:$0x500] =	vst v63  }
0x53: {  	s18 =	sadd.s32 $0xFFFFFFF0, s18;
	s14 =	sor.u32 $0x100, s14;
	(ifvalue) =	ssetifvalue $0x7FFFFFFF  }
0x54: {  	s21 =	sadd.s32 $0x180, s19;
	s17 =	simm.s32 $0x10;
	(ifvalue) =	ssetifvalue $0x7FFFFFFF  }
.LBB2_3:
0x55: {  	[tilespmem:s21], [sflag:$0x1] =	stream.indirect_vreg.gather [hbm4b:s2+s10], $0x1, v2, vm0, $0x4038;
	[tilespmem:$0x500] =	vst v63  }
0x56: {  	s19 =	smov.u32 s20  }
0x57: {  	s22 =	sadd.s32 s17, s15;
	s21 =	sshra.s32 s19, $0x2;
	s19 =	sadd.s32 $0x40, s20  }
0x58: {  	p1 =	sne.s32 s20, $0x1C0;
	v2 =	vld.msk [tilespmem:s22+$0x0 ss:$0x1], $0xffff  }
0x59: {  	(ifvalue) =	ssetifvalue $0x7FFFFFFF;
	_ =	sdelay $0x4  }
0x5a: {  	v3 =	vshrl.u32 v2, $0x1;
	v4 =	vand.u32 $0x1, v2  }
0x5b: {  	vm1 =	veq.s32 v2, $0x80000000;
	v2 =	vand.u32 $0x3FFFF, v3;
	vm2 =	veq.s32 v4, $0x1  }
0x5c: {  	p2 =	sgt.s32 s18, $0x0;
	s20 =	smov.u32 s18;
	v2 =	vsel vm1, $0xFFFFFFFF, v2;
	v3 =	vsel vm2, $0xFFC00, v0  }
0x5d: {  	s20 =	simm.s32 @!p2 $0x0;
	v3 =	vsel vm1, $0xFFF00400, v3;
	v4 =	vshll.u32 v2, $0x2  }
0x5e: {  	s20 =	smin.u32 s20, $0x10;
	v4 =	vand.u32 $0xFFFFFE00, v4  }
0x5f: {  	v2 =	vand.u32 $0x7F, v2;
	v3 =	vadd.s32 v3, v4;
	v4 =	vmov s20  }
0x60: {  	v2 =	vor.u32 v2, v3;
	vm1 =	vgt.u32 v4, v1  }
0x61: {  	v3 =	vnsel vm1, $0x7FFFFFFF, v2;
	v4 =	vor.u32 $0x80, v2;
	v5 =	vor.u32 $0x100, v2  }
0x62: {  	v2 =	vor.u32 $0x180, v2;
	_ =	sdelay $0x1  }
0x63: {  	v4 =	vnsel vm1, $0x7FFFFFFF, v4  }
0x64: {  	s20 =	sadd.s32 s17, s16;
	s17 =	smov.u32 s21;
	(ifvalue) =	ssetifvalue $0x7FFFFFFF  }
0x65: {  	[tilespmem:s20], [sflag:$0x1] =	stream.indirect_vreg.gather [hbm4b:s2+s10], $0x1, v3, vm0, $0x4038;
	[tilespmem:$0x500] =	vst v63  }
0x66: {  	v3 =	vnsel vm1, $0x7FFFFFFF, v5;
	(ifvalue) =	ssetifvalue $0x7FFFFFFF  }
0x67: {  	s21 =	sadd.s32 $0x80, s20;
	(ifvalue) =	ssetifvalue $0x7FFFFFFF  }
0x68: {  	[tilespmem:s21], [sflag:$0x1] =	stream.indirect_vreg.gather [hbm4b:s2+s10], $0x1, v4, vm0, $0x4038;
	[tilespmem:$0x500] =	vst v63  }
.Ltmp3:
0x69: {  	v2 =	vnsel vm1, $0x7FFFFFFF, v2;
	(ifvalue) =	ssetifvalue $0x7FFFFFFF;
	(pc) =	sbr.rel @p1 .LBB2_3-.Ltmp3, $4  }
0x6a: {  	s21 =	sadd.s32 $0x100, s20;
	(ifvalue) =	ssetifvalue $0x7FFFFFFF  }
0x6b: {  	[tilespmem:s21], [sflag:$0x1] =	stream.indirect_vreg.gather [hbm4b:s2+s10], $0x1, v3, vm0, $0x4038;
	[tilespmem:$0x500] =	vst v63  }
0x6c: {  	s18 =	sadd.s32 $0xFFFFFFF0, s18;
	(ifvalue) =	ssetifvalue $0x7FFFFFFF  }
0x6d: {  	s21 =	sadd.s32 $0x180, s20;
	s20 =	smov.u32 s19;
	(ifvalue) =	ssetifvalue $0x7FFFFFFF  }
.Ltmp4:
0x6e: {  	_ = 	snop;
	(pc) =	sbr.rel .LBB2_4-.Ltmp4, $1  }
0x6f: {  	_ =	sdelay $0x3  }
.LBB2_6:
0x70: {  	_ =	sfence.sel $0x180000  }
0x71: {  	s2 =	simm.s32 $0x2;
	[bflag:$0x0] =	sbarrier.arrive $0xFFFF  }
0x72: {  	s30 =	simm.s32 $0x3;
	[sflag:s2] =	ssyncpa.u1 $0x1  }
0x73: {  	s31 =	simm.s32 $0x1;
	[sflag:s30] =	ssyncpa.u1 $0x1  }
0x74: {  	[sflag:s31] =	ssyncpa.u1 $0x1  }
0x75: {  	p0 =	sne.s32 s0, $0x0;
	_ =	strace $0x90000047  }
0x76: {  	s0 =	sadd.s32 @!p0 $0x100000, s1;
	[bflag:$0x2] =	sbarrier.arrive $0xFFFF  }
0x77: {  	[sflag:s0] =	ssyncadd.tile.s32 @!p0 $0x1;
	_ =	shalt  }
.Lfunc_end2:
_tile_overlayer_lowered:
.L_overlay_start_2:
0x78: {  	(tag) =	ssettag $0x2  }
0x79: {  	s0 =	rddreg [dreg:$0x0];
	s2 =	stileid.u32  }
0x7a: {  	s1 =	rddreg [dreg:$0x1];
	p0 =	sne.s32 s2, $0x0  }
0x7b: {  	s3 =	rddreg [dreg:$0x2];
	[bflag:$0x3] =	sbarrier.arrive $0xFFFF;
	s2 =	simm.s32 @!p0 $0x1C01  }
0x7c: {  	[timem:s3], [sflag:s2] =	dma.local @!p0 [hbm:s0], s1  }
0x7d: {  	s0 =	simm.s32 @!p0 $0x1  }
0x7e: {  	_ =	swait.ge @!p0 [sflag:s0], s1  }
0x7f: {  	s1 =	ssub.s32 @!p0 $0x0, s1;
	[sflag:s0] =	ssyncset.done @!p0 $0x0  }
0x80: {  	[sflag:s0] =	ssyncadd.s32 @!p0 s1  }
0x81: {  	[bflag:$0x3] =	sbarrier.arrive $0xFFFF  }
0x82: {  	_ =	shalt  }

// kernel: gather_offload_async_start
scs
__scs_entry_jumppad:
0x0: {  	(pc) =	sbr.rel $0x88, $3  }
0x1: {  	(tag) =	ssettag $0x0;
	lr =	simm.s32 $0x1  }
0x2: {  	[smem:$0x3F9E] =	sst lr;
	_ =	strace $0xD0000000  }
0x3: {  	_ = 	snop  }
0x4: {  	_ = 	snop  }
0x5: {  	_ = 	snop  }
0x6: {  	_ = 	snop  }
0x7: {  	_ = 	snop  }
__scs_overlays_trampoline_lowered:
0x8: {  	[smem:$0x3FAD] =	sst s0  }
0x9: {  	[smem:$0x3FAE] =	sst s1  }
0xa: {  	[smem:$0x3FAF] =	sst s2  }
0xb: {  	[smem:$0x3FB0] =	sst s3  }
0xc: {  	[smem:$0x3FB1] =	sst s4  }
0xd: {  	[smem:$0x3FB2] =	sst s5  }
0xe: {  	[smem:$0x3FB3] =	sst s6  }
0xf: {  	[smem:$0x3FB4] =	sst s7  }
0x10: {  	[smem:$0x3FB5] =	sst s8  }
0x11: {  	[smem:$0x3FB6] =	sst s9;
	s0 =	simm.s32 @!p0 $0x0  }
0x12: {  	s1 =	sld [smem:$0x3F9C];
	s0 =	simm.s32 @p0 $0x1  }
0x13: {  	[smem:$0x3FB7] =	sst s0;
	s0 =	simm.s32 @!p1 $0x0  }
0x14: {  	s2 =	sld [smem:$0x3F9B];
	s0 =	simm.s32 @p1 $0x1  }
0x15: {  	[smem:$0x3FB8] =	sst s0;
	s0 =	simm.s32 @!p2 $0x0  }
0x16: {  	s3 =	sld [smem:$0x3FDB];
	s0 =	simm.s32 @p2 $0x1  }
0x17: {  	s4 =	simm.s32 $0x1BF5;
	[smem:$0x3FBA] =	sst s0  }
0x18: {  	s0 =	sld [smem:$0x3F9D];
	_ =	swait.ge [sflag:s4], $0x0  }
0x19: {  	s7 =	sld [smem:$0x3F9E]  }
0x1a: {  	s8 =	sadd.s32 $0xFFFFE003, lr  }
0x1b: {  	s9 =	sadd.s32 $0xFFFFFEF7, lr;
	s5 =	simm.s32 $0xFFFFFFFF;
	p2 =	slt.u32 s8, $0xFFFFF086  }
0x1c: {  	p1 =	slt.u32 s9, $0xF7A;
	s5 =	simm.s32 @!p2 $0x0  }
0x1d: {  	s5 =	simm.s32 @p1 $0x1;
	p0 =	seq.s32 s7, s2  }
0x1e: {  	s7 =	smul.u32 @!p0 $0xF7A, s2;
	p2 =	seq.s32 @!p0 s5, $0x0  }
0x1f: {  	s9 =	smul.u32 $0xF7A, s1;
	s8 =	simm.s32 @!p0 $0x1BF5;
	p2 =	por !p2, p0  }
0x20: {  	[sflag:s8] =	ssyncset.s32 @!p0 $0xFFFFF086;
	s6 =	sadd.s32 @!p0 s3, s7;
	s7 =	simm.s32 @!p0 $0x108  }
0x21: {  	s3 =	sadd.s32 s3, s9;
	s6 =	sadd.s32 @!p0 $0x88, s6;
	s7 =	simm.s32 @p2 $0x1082  }
0x22: {  	[simem:s7], [sflag:s8] =	dma.local @!p0 [hbm:s6], $0xF7A  }
0x23: {  	s9 =	sor.u32 $0xD0000000, s2;
	s6 =	simm.s32 $0x108;
	_ =	swait.ge @!p0 [sflag:s8], $0x0  }
0x24: {  	s3 =	sadd.s32 $0x88, s3;
	s6 =	simm.s32 @!p1 $0x1082;
	[sflag:s4] =	ssyncset.s32 $0xFFFFF086  }
0x25: {  	[simem:s6], [sflag:s4] =	dma.local [hbm:s3], $0xF7A  }
0x26: {  	[smem:$0x3F9E] =	sst s1;
	(tag) =	ssettag s2;
	_ =	strace s9  }
0x27: {  	s1 =	sld [smem:$0x3FAE]  }
0x28: {  	s2 =	sld [smem:$0x3FAF]  }
0x29: {  	s4 =	sld [smem:$0x3FB1]  }
0x2a: {  	p0 =	seq.s32 s5, $0x0;
	s5 =	sld [smem:$0x3FB2]  }
0x2b: {  	s6 =	sld [smem:$0x3FB3]  }
0x2c: {  	s7 =	sld [smem:$0x3FB4]  }
0x2d: {  	s3 =	simm.s32 $0x108;
	s8 =	sld [smem:$0x3FB5]  }
0x2e: {  	s3 =	simm.s32 @!p0 $0x1082;
	s9 =	sld [smem:$0x3FB6]  }
0x2f: {  	lr =	sadd.s32 s0, s3;
	s0 =	sld [smem:$0x3FAD]  }
0x30: {  	s3 =	sld [smem:$0x3FB0]  }
0x31: {  	[smem:$0x3FB9] =	sst s10  }
0x32: {  	s10 =	sld [smem:$0x3FB7];
	_ =	sdelay $0x3  }
0x33: {  	p0 =	seq.s32 s10, $0x1;
	s10 =	sld [smem:$0x3FB9];
	_ =	sdelay $0x3  }
0x34: {  	[smem:$0x3FB9] =	sst s10  }
0x35: {  	s10 =	sld [smem:$0x3FB8];
	_ =	sdelay $0x3  }
0x36: {  	p1 =	seq.s32 s10, $0x1;
	s10 =	sld [smem:$0x3FB9];
	_ =	sdelay $0x3  }
0x37: {  	[smem:$0x3FB9] =	sst s10  }
0x38: {  	s10 =	sld [smem:$0x3FBA]  }
0x39: {  	_ = 	snop;
	(pc) =	sbr.ind lr, $3  }
0x3a: {  	_ = 	snop  }
0x3b: {  	_ = 	snop  }
0x3c: {  	p2 =	seq.s32 s10, $0x1;
	s10 =	sld [smem:$0x3FB9]  }
0x3d: {  	_ =	shalt  }
0x3e: {  	_ =	shalt  }
0x3f: {  	_ =	shalt  }
0x40: {  	_ =	shalt  }
0x41: {  	_ =	shalt  }
0x42: {  	_ =	shalt  }
0x43: {  	_ =	shalt  }
0x44: {  	_ =	shalt  }
0x45: {  	_ =	shalt  }
0x46: {  	_ =	shalt  }
0x47: {  	_ =	shalt  }
0x48: {  	_ =	shalt  }
0x49: {  	_ =	shalt  }
0x4a: {  	_ =	shalt  }
0x4b: {  	_ =	shalt  }
0x4c: {  	_ =	shalt  }
0x4d: {  	_ =	shalt  }
0x4e: {  	_ =	shalt  }
0x4f: {  	_ =	shalt  }
0x50: {  	_ =	shalt  }
0x51: {  	_ =	shalt  }
0x52: {  	_ =	shalt  }
0x53: {  	_ =	shalt  }
0x54: {  	_ =	shalt  }
0x55: {  	_ =	shalt  }
0x56: {  	_ =	shalt  }
0x57: {  	_ =	shalt  }
0x58: {  	_ =	shalt  }
0x59: {  	_ =	shalt  }
0x5a: {  	_ =	shalt  }
0x5b: {  	_ =	shalt  }
0x5c: {  	_ =	shalt  }
0x5d: {  	_ =	shalt  }
0x5e: {  	_ =	shalt  }
0x5f: {  	_ =	shalt  }
0x60: {  	_ =	shalt  }
0x61: {  	_ =	shalt  }
0x62: {  	_ =	shalt  }
0x63: {  	_ =	shalt  }
0x64: {  	_ =	shalt  }
0x65: {  	_ =	shalt  }
0x66: {  	_ =	shalt  }
0x67: {  	_ =	shalt  }
0x68: {  	_ =	shalt  }
0x69: {  	_ =	shalt  }
0x6a: {  	_ =	shalt  }
0x6b: {  	_ =	shalt  }
0x6c: {  	_ =	shalt  }
0x6d: {  	_ =	shalt  }
0x6e: {  	_ =	shalt  }
0x6f: {  	_ =	shalt  }
0x70: {  	_ =	shalt  }
0x71: {  	_ =	shalt  }
0x72: {  	_ =	shalt  }
0x73: {  	_ =	shalt  }
0x74: {  	_ =	shalt  }
0x75: {  	_ =	shalt  }
0x76: {  	_ =	shalt  }
0x77: {  	_ =	shalt  }
0x78: {  	_ =	shalt  }
0x79: {  	_ =	shalt  }
0x7a: {  	_ =	shalt  }
0x7b: {  	_ =	shalt  }
0x7c: {  	_ =	shalt  }
0x7d: {  	_ =	shalt  }
0x7e: {  	_ =	shalt  }
0x7f: {  	_ =	shalt  }
0x80: {  	_ =	shalt  }
0x81: {  	_ =	shalt  }
0x82: {  	_ =	shalt  }
0x83: {  	_ =	shalt  }
0x84: {  	_ =	shalt  }
0x85: {  	_ =	shalt  }
0x86: {  	_ =	shalt  }
0x87: {  	_ =	shalt  }
.Lfunc_end0:
.L_simem_size_0:
called_computation.1_lowered:
.L_overlay_start_0:
0x88: {  	s2 =	sld [smem:$0x3FD9]  }
0x89: {  	s3 =	sld [smem:$0x3FFE];
	_ =	sdelay $0x1  }
0x8a: {  	s1 =	srdreg.scid  }
0x8b: {  	s0 =	sand.u32 $0x1, s1  }
0x8c: {  	s17 =	sshll.u32 s0, $0xA;
	s2 =	sadd.s32 s3, s2  }
0x8d: {  	s2 =	sadd.s32 s2, s17  }
0x8e: {  	[smem:$0x3FC5] =	sst s2  }
0x8f: {  	_ = 	snop  }
0x90: {  	s2 =	sld [smem:$0x3FD0];
	(tm) =	ssettm $0x1  }
0x91: {  	s18 =	sld [smem:$0x3FFB];
	_ =	sdelay $0x3  }
0x92: {  	_ =	strace s18  }
0x93: {  	s3 =	sld [smem:$0x3FFC];
	_ =	sdelay $0x3  }
0x94: {  	_ =	strace s3  }
0x95: {  	s3 =	sld [smem:$0x3FFD];
	_ =	sdelay $0x3  }
0x96: {  	_ =	strace s3  }
0x97: {  	_ =	strace $0x8FFFFFFF  }
0x98: {  	s19 =	sld [smem:$0x3FDB];
	_ =	sdelay $0x1  }
0x99: {  	s4 =	simm.s32 $_scs_section_size  }
0x9a: {  	s5 =	simm.s32 $_size__tile_overlayer_lowered;
	s6 =	simm.s32 $_tile_overlayer_lowered  }
0x9b: {  	s22 =	simm.s32 $0x1BFF;
	s21 =	sshll.u32 s6, $0x1;
	s3 =	sadd.s32 s4, s19  }
0x9c: {  	s7 =	simm.s32 $0x0;
	s20 =	sshll.u32 s5, $0x1;
	s5 =	sadd.s32 s21, s3  }
0x9d: {  	[timem:s7], [sflag:s22] =	dma.local [hbm:s5], s20  }
0x9e: {  	_ =	swait.ge [sflag:s22], s20  }
0x9f: {  	s4 =	ssub.s32 $0x0, s20;
	[sflag:s22] =	ssyncset.done $0x0  }
0xa0: {  	[sflag:s22] =	ssyncadd.s32 s4;
	_ =	sdelay $0x1  }
0xa1: {  	s23 =	simm.s32 $0x1B8B  }
0xa2: {  	_ =	swait.ge [sflag:s23], $0x1  }
0xa3: {  	[sflag:s23] =	ssyncset.done $0x0  }
0xa4: {  	s25 =	simm.s32 $0x1B8E;
	s24 =	sld [smem:$0x3FFE];
	[sflag:s23] =	ssyncadd.s32 $0xFFFFFFFF  }
0xa5: {  	s26 =	simm.s32 $execute0_lowered;
	[smem:$0x3FD2] =	sst s25  }
0xa6: {  	s5 =	sshll.u32 s26, $0x1;
	_ =	strace $0x8000004F;
	[dreg:$0x1] =	wrdreg $0xFFFFFFFF  }
0xa7: {  	s28 =	simm.s32 $_size_execute0_lowered;
	s3 =	sadd.s32 s3, s5;
	[dreg:$0x0] =	wrdreg $0x0  }
0xa8: {  	s5 =	sshll.u32 s28, $0x1;
	[dreg:$0x2] =	wrdreg s3  }
0xa9: {  	[dreg:$0x3] =	wrdreg s5  }
0xaa: {  	[dreg:$0x4] =	wrdreg $0xC0  }
0xab: {  	_ =	task [dreg:s7], $0x5FFFF  }
0xac: {  	[dreg:$0x1] =	wrdreg $0xFFFFFFFF  }
0xad: {  	[dreg:$0x0] =	wrdreg $0x60  }
0xae: {  	[dreg:$0x2] =	wrdreg s24  }
0xaf: {  	[dreg:$0x3] =	wrdreg s2  }
0xb0: {  	[dreg:$0x4] =	wrdreg $0x9  }
0xb1: {  	_ =	task.clear_ibuf [dreg:s7], $0x5FFFF;
	_ =	strace $0x9000004F  }
0xb2: {  	s29 =	simm.s32 $0x9;
	_ =	strace $0x80000051  }
0xb3: {  	_ =	swait.ge [sflag:s29], $0x1  }
0xb4: {  	[sflag:s29] =	ssyncadd.s32 $0xFFFFFFFF  }
0xb5: {  	_ =	strace $0x90000051  }
0xb6: {  	_ =	sfence  }
0xb7: {  	s30 =	sld [smem:$0x0];
	_ =	sdelay $0x2  }
0xb8: {  	s31 =	sshll.u32 s1, $0xD;
	s1 =	sshrl.u32 s1, $0x2  }
0xb9: {  	s3 =	sand.u32 $0x4000, s31;
	s1 =	sadd.s32 s1, s30  }
0xba: {  	s0 =	sor.u32 s3, s0;
	s1 =	sshll.u32 s1, $0x11  }
0xbb: {  	s0 =	sor.u32 s1, s0  }
0xbc: {  	s0 =	sadd.s32 $0x8F2B, s0  }
0xbd: {  	[sflag:s0] =	ssyncadd.remote.s32 $0x1  }
0xbe: {  	_ =	sfence.sel $0xFFFF  }
0xbf: {  	[dreg:$0x0] =	wrdreg $0xFFFFFFFF;
	(pc) =	sbr.abs _section_cstart, $3  }
0xc0: {  	[dreg:$0x1] =	wrdreg $0xFFFFFFFF  }
0xc1: {  	_ =	task.clear_ibuf [dreg:s7], $0x2FFFF;
	_ =	strace $0x9FFFFFFF  }
0xc2: {  	(tm) =	ssettm $0x7FFFFFFF  }
0xc3: {  	_ =	shalt  }
tec
execute0_lowered:
.L_overlay_start_1:
0x0: {  	(tag) =	ssettag $0x1  }
0x1: {  	s0 =	srdreg.scid  }
0x2: {  	s1 =	sshll.u32 s0, $0x4  }
0x3: {  	s0 =	stileid.u32;
	s1 =	sand.u32 $0x10, s1  }
0x4: {  	s2 =	sor.u32 s0, s1  }
0x5: {  	s1 =	smin.u32 s2, $0x12  }
0x6: {  	s1 =	sadd.s32 s2, s1  }
0x7: {  	p0 =	slt.u32 s2, $0x12;
	s2 =	simm.s32 $0xA0;
	s1 =	smul.u32 $0x50, s1  }
0x8: {  	s2 =	simm.s32 @!p0 $0x50  }
0x9: {  	s2 =	sadd.s32 s2, s1  }
0xa: {  	s3 =	smin.u32 s2, $0xFA0  }
0xb: {  	s7 =	ssub.s32 s3, s1  }
0xc: {  	p0 =	sgt.s32 s7, $0x0  }
0xd: {  	s7 =	simm.s32 @!p0 $0x0  }
0xe: {  	s4 =	rddreg [dreg:$0x0];
	s31 =	smul.u32 $0xCCCD, s7  }
0xf: {  	s5 =	rddreg [dreg:$0x1]  }
0x10: {  	s6 =	simm.s32 $0x1;
	s10 =	simm.s32 $0x3;
	s8 =	sshrl.u32 s31, $0x16  }
0x11: {  	s13 =	simm.s32 $0x0;
	s12 =	simm.s32 $0x0;
	s9 =	smul.u32 $0x50, s8  }
.Ltmp0:
0x12: {  	s11 =	smov.u32 s1;
	s2 =	rddreg [dreg:$0x2];
	(pc) =	sbr.rel .LBB2_1-.Ltmp0, $4  }
0x13: {  	_ =	strace $0x80000050;
	p0 =	sne.s32 s7, s9;
	s9 =	simm.s32 $0x1  }
0x14: {  	[sflag:s6] =	ssyncpa.u1 $0x0;
	s7 =	simm.s32 $0x2;
	s9 =	simm.s32 @!p0 $0x0  }
0x15: {  	[sflag:s7] =	ssyncpa.u1 $0x0;
	p0 =	por $0x0, $0x0;
	s8 =	sadd.s32 s8, s9  }
0x16: {  	v0 =	vimm.s32 $0x0;
	vm0 =	vmmov $0xff;
	vm1 =	vcmask $0x3F20;
	s9 =	sadd.s32 $0x30000, s4;
	[sflag:s10] =	ssyncpa.u1 $0x0;
	s10 =	sadd.s32 $0x1, s8  }
.LBB2_6:
0x17: {  	[hbm:s17] =	stream.linear.scatter [tilespmem:s14], [sflag:$0x3], $0x400, $0x38;
	[tilespmem:$0x50A0] =	vst v63  }
.LBB2_7:
0x18: {  	s13 =	sadd.s32 $0x50, s11  }
0x19: {  	s15 =	smov.u32 s1;
	p2 =	slt.s32 s13, s3  }
0x1a: {  	s15 =	smov.u32 @p2 s13;
	p2 =	sne.s32 s12, s10  }
.Ltmp1:
0x1b: {  	p1 =	slt.u32 s12, $0x2;
	(pc) =	sbr.rel @!p2 .LBB2_8-.Ltmp1, $4  }
0x1c: {  	s14 =	simm.s32 @!p1 $0x3  }
0x1d: {  	s16 =	sadd.s32 $0x1, s12;
	_ =	swait.ge @!p1 [sflag:s14], $0x2800  }
0x1e: {  	p0 =	por !p0, !p0;
	s13 =	smov.u32 s11;
	[sflag:s14] =	ssyncset.done @!p1 $0x0  }
0x1f: {  	s12 =	smov.u32 s16;
	s11 =	smov.u32 s15;
	[sflag:s14] =	ssyncadd.s32 @!p1 $0xFFFFD800  }
.LBB2_1:
0x20: {  	p1 =	sge.u32 s12, s8  }
0x21: {  	s14 =	sxor.u32 @!p1 $0xFFFFFFFF, s12  }
0x22: {  	s14 =	sand.u32 @!p1 $0x1, s14  }
0x23: {  	s14 =	smul.u32 @!p1 $0x140, s14  }
0x24: {  	s31 =	sadd.s32 $0xFFFFFFFF, s12;
	s15 =	sshrl.u32 @!p1 s11, $0x3  }
0x25: {  	s16 =	sand.u32 @!p1 $0x7, s11;
	s15 =	sadd.s32 @!p1 s5, s15;
	s14 =	sshrl.u32 @!p1 s14, $0x2  }
0x26: {  	[tilespmem:s14], [sflag:$0x2] =	stream.linear.gather @!p1 [hbm4b:s15+s16], $0x50, $0x38;
	[tilespmem:$0x50A0] =	vst v63  }
0x27: {  	p1 =	sge.u32 s31, s8  }
.Ltmp2:
0x28: {  	_ = 	snop;
	(pc) =	sbr.rel @p1 .LBB2_7-.Ltmp2, $1  }
0x29: {  	_ =	sdelay $0x3  }
0x2a: {  	s14 =	simm.s32 $0x1  }
0x2b: {  	s14 =	simm.s32 @!p0 $0x0  }
0x2c: {  	s15 =	smul.u32 $0x140, s14  }
0x2d: {  	_ =	swait.ge [sflag:s7], $0x50  }
0x2e: {  	[sflag:s7] =	ssyncset.done $0x0;
	s16 =	sshrl.u32 s15, $0x2  }
0x2f: {  	[sflag:s7] =	ssyncadd.s32 $0xFFFFFFB0;
	s15 =	sadd.s32 $0x0, s16  }
0x30: {  	v1 =	vld.msk [tilespmem:s15+$0x0 ss:$0x1], $0xffff;
	_ =	sdelay $0x4  }
0x31: {  	v2 =	vand.u32 $0x1, v1;
	v3 =	vshll.u32 v1, $0x6  }
0x32: {  	vm2 =	veq.s32 v1, $0x80000000;
	vm3 =	veq.s32 v2, $0x1;
	v1 =	vand.u32 $0xFFF80, v3  }
0x33: {  	v2 =	vsel vm3, $0xC0000, v0;
	v1 =	vsel vm2, $0xFFFFFF80, v1  }
0x34: {  	v2 =	vsel vm2, $0xFFF40000, v2;
	v3 =	vand.u32 $0xFFFFFC00, v1  }
0x35: {  	v1 =	vand.u32 $0x380, v1;
	v2 =	vadd.s32 v2, v3  }
0x36: {  	v1 =	vor.u32 v1, v2  }
0x37: {  	v1 =	vshrl.u32 v1, $0x3  }
0x38: {  	s14 =	smul.u32 $0xA000, s14;
	_ =	sdelay $0x1  }
0x39: {  	s14 =	sshrl.u32 s14, $0x2  }
0x3a: {  	s14 =	sor.u32 $0xA0, s14  }
0x3b: {  	[tilespmem:s14], [sflag:$0x1] =	stream.indirect_vreg.gather [hbm:s4], $0x80, v1, vm0, $0x38;
	[tilespmem:$0x50A0] =	vst v63  }
0x3c: {  	s17 =	sadd.s32 $0x10, s16;
	s15 =	sadd.s32 $0x400, s14  }
0x3d: {  	[tilespmem:s15], [sflag:$0x1] =	stream.indirect_vreg.gather [hbm:s4], $0x80, v1, vm1, $0x38;
	[tilespmem:$0x50A0] =	vst v63  }
0x3e: {  	s18 =	simm.s32 $0x80;
	v1 =	vld.msk [tilespmem:s17+$0x0 ss:$0x1], $0xffff;
	s17 =	smov.u32 s14  }
.LBB2_3:
0x3f: {  	p1 =	sne.s32 s18, $0x100;
	_ =	sdelay $0x4  }
0x40: {  	v2 =	vand.u32 $0x1, v1;
	v3 =	vshll.u32 v1, $0x6  }
0x41: {  	vm2 =	veq.s32 v1, $0x80000000;
	vm3 =	veq.s32 v2, $0x1;
	v1 =	vand.u32 $0xFFF80, v3  }
0x42: {  	v2 =	vsel vm3, $0xC0000, v0;
	v1 =	vsel vm2, $0xFFFFFF80, v1  }
0x43: {  	v2 =	vsel vm2, $0xFFF40000, v2;
	v3 =	vand.u32 $0xFFFFFC00, v1  }
0x44: {  	v1 =	vand.u32 $0x380, v1;
	v2 =	vadd.s32 v2, v3  }
0x45: {  	v1 =	vor.u32 v1, v2  }
0x46: {  	v1 =	vshrl.u32 v1, $0x3;
	_ =	sdelay $0x3  }
.Ltmp3:
0x47: {  	s19 =	sshra.s32 s18, $0x2;
	s17 =	sadd.s32 $0x800, s17;
	(pc) =	sbr.rel @p1 .LBB2_3-.Ltmp3, $4  }
0x48: {  	[tilespmem:s17], [sflag:$0x1] =	stream.indirect_vreg.gather [hbm:s4], $0x80, v1, vm0, $0x38;
	[tilespmem:$0x50A0] =	vst v63  }
0x49: {  	s19 =	sadd.s32 s19, s16;
	s20 =	sadd.s32 $0x400, s17  }
0x4a: {  	[tilespmem:s20], [sflag:$0x1] =	stream.indirect_vreg.gather [hbm:s4], $0x80, v1, vm1, $0x38;
	[tilespmem:$0x50A0] =	vst v63  }
0x4b: {  	s18 =	sadd.s32 $0x40, s18;
	v1 =	vld.msk [tilespmem:s19+$0x0 ss:$0x1], $0xffff  }
0x4c: {  	_ =	sdelay $0x3  }
0x4d: {  	v2 =	vand.u32 $0x1, v1;
	v3 =	vshll.u32 v1, $0x6  }
0x4e: {  	vm2 =	veq.s32 v1, $0x80000000;
	vm3 =	veq.s32 v2, $0x1;
	v1 =	vand.u32 $0xFFF80, v3  }
0x4f: {  	v2 =	vsel vm3, $0xC0000, v0;
	v1 =	vsel vm2, $0xFFFFFF80, v1  }
0x50: {  	v2 =	vsel vm2, $0xFFF40000, v2;
	v3 =	vand.u32 $0xFFFFFC00, v1  }
0x51: {  	v1 =	vand.u32 $0x380, v1;
	v2 =	vadd.s32 v2, v3  }
0x52: {  	v1 =	vor.u32 v1, v2  }
0x53: {  	v1 =	vshrl.u32 v1, $0x3;
	_ =	sdelay $0x3  }
0x54: {  	s16 =	sadd.s32 $0x800, s17  }
0x55: {  	[tilespmem:s16], [sflag:$0x1] =	stream.indirect_vreg.gather [hbm:s4], $0x80, v1, vm0, $0x38;
	[tilespmem:$0x50A0] =	vst v63  }
0x56: {  	s16 =	sadd.s32 $0x400, s16  }
0x57: {  	[tilespmem:s16], [sflag:$0x1] =	stream.indirect_vreg.gather [hbm:s4], $0x80, v1, vm1, $0x38;
	[tilespmem:$0x50A0] =	vst v63  }
0x58: {  	s13 =	sshll.u32 s13, $0x4;
	_ =	swait.ge [sflag:s6], $0x2800  }
0x59: {  	s13 =	sadd.s32 s13, s9;
	[sflag:s6] =	ssyncset.done $0x0  }
0x5a: {  	s17 =	sadd.s32 $0x0, s13;
	s16 =	simm.s32 $0x80;
	[sflag:s6] =	ssyncadd.s32 $0xFFFFD800  }
.LBB2_5:
0x5b: {  	[hbm:s17] =	stream.linear.scatter [tilespmem:s14], [sflag:$0x3], $0x400, $0x38;
	[tilespmem:$0x50A0] =	vst v63  }
0x5c: {  	s17 =	smov.u32 s16;
	s14 =	smov.u32 s15;
	p1 =	sne.s32 s16, $0x480  }
.Ltmp4:
0x5d: {  	s16 =	sadd.s32 $0x80, s16;
	(pc) =	sbr.rel @p1 .LBB2_5-.Ltmp4, $2  }
0x5e: {  	_ =	sdelay $0x2  }
0x5f: {  	s15 =	sadd.s32 $0x400, s15;
	s17 =	sadd.s32 s17, s13  }
.Ltmp5:
0x60: {  	_ = 	snop;
	(pc) =	sbr.rel .LBB2_6-.Ltmp5, $1  }
0x61: {  	_ =	sdelay $0x3  }
.LBB2_8:
0x62: {  	_ =	sfence.sel $0x180000  }
0x63: {  	s1 =	simm.s32 $0x2;
	[bflag:$0x0] =	sbarrier.arrive $0xFFFF  }
0x64: {  	s30 =	simm.s32 $0x3;
	[sflag:s1] =	ssyncpa.u1 $0x1  }
0x65: {  	s31 =	simm.s32 $0x1;
	[sflag:s30] =	ssyncpa.u1 $0x1  }
0x66: {  	[sflag:s31] =	ssyncpa.u1 $0x1  }
0x67: {  	p0 =	sne.s32 s0, $0x0;
	_ =	strace $0x90000050  }
0x68: {  	s0 =	sadd.s32 @!p0 $0x100000, s2;
	[bflag:$0x2] =	sbarrier.arrive $0xFFFF  }
0x69: {  	[sflag:s0] =	ssyncadd.tile.s32 @!p0 $0x1;
	_ =	shalt  }
.Lfunc_end2:
_tile_overlayer_lowered:
.L_overlay_start_2:
0x6a: {  	(tag) =	ssettag $0x2  }
0x6b: {  	s0 =	rddreg [dreg:$0x0];
	s2 =	stileid.u32  }
0x6c: {  	s1 =	rddreg [dreg:$0x1];
	p0 =	sne.s32 s2, $0x0  }
0x6d: {  	s3 =	rddreg [dreg:$0x2];
	[bflag:$0x3] =	sbarrier.arrive $0xFFFF;
	s2 =	simm.s32 @!p0 $0x1C01  }
0x6e: {  	[timem:s3], [sflag:s2] =	dma.local @!p0 [hbm:s0], s1  }
0x6f: {  	s0 =	simm.s32 @!p0 $0x1  }
0x70: {  	_ =	swait.ge @!p0 [sflag:s0], s1  }
0x71: {  	s1 =	ssub.s32 @!p0 $0x0, s1;
	[sflag:s0] =	ssyncset.done @!p0 $0x0  }
0x72: {  	[sflag:s0] =	ssyncadd.s32 @!p0 s1  }
0x73: {  	[bflag:$0x3] =	sbarrier.arrive $0xFFFF  }
0x74: {  	_ =	shalt  }

// kernel: scatter_offload_async_start
scs
__scs_entry_jumppad:
0x0: {  	(pc) =	sbr.rel $0x88, $3  }
0x1: {  	(tag) =	ssettag $0x0;
	lr =	simm.s32 $0x1  }
0x2: {  	[smem:$0x3F9E] =	sst lr;
	_ =	strace $0xD0000000  }
0x3: {  	_ = 	snop  }
0x4: {  	_ = 	snop  }
0x5: {  	_ = 	snop  }
0x6: {  	_ = 	snop  }
0x7: {  	_ = 	snop  }
__scs_overlays_trampoline_lowered:
0x8: {  	[smem:$0x3FAD] =	sst s0  }
0x9: {  	[smem:$0x3FAE] =	sst s1  }
0xa: {  	[smem:$0x3FAF] =	sst s2  }
0xb: {  	[smem:$0x3FB0] =	sst s3  }
0xc: {  	[smem:$0x3FB1] =	sst s4  }
0xd: {  	[smem:$0x3FB2] =	sst s5  }
0xe: {  	[smem:$0x3FB3] =	sst s6  }
0xf: {  	[smem:$0x3FB4] =	sst s7  }
0x10: {  	[smem:$0x3FB5] =	sst s8  }
0x11: {  	[smem:$0x3FB6] =	sst s9;
	s0 =	simm.s32 @!p0 $0x0  }
0x12: {  	s1 =	sld [smem:$0x3F9C];
	s0 =	simm.s32 @p0 $0x1  }
0x13: {  	[smem:$0x3FB7] =	sst s0;
	s0 =	simm.s32 @!p1 $0x0  }
0x14: {  	s2 =	sld [smem:$0x3F9B];
	s0 =	simm.s32 @p1 $0x1  }
0x15: {  	[smem:$0x3FB8] =	sst s0;
	s0 =	simm.s32 @!p2 $0x0  }
0x16: {  	s3 =	sld [smem:$0x3FDB];
	s0 =	simm.s32 @p2 $0x1  }
0x17: {  	s4 =	simm.s32 $0x1BF5;
	[smem:$0x3FBA] =	sst s0  }
0x18: {  	s0 =	sld [smem:$0x3F9D];
	_ =	swait.ge [sflag:s4], $0x0  }
0x19: {  	s7 =	sld [smem:$0x3F9E]  }
0x1a: {  	s8 =	sadd.s32 $0xFFFFE003, lr  }
0x1b: {  	s9 =	sadd.s32 $0xFFFFFEF7, lr;
	s5 =	simm.s32 $0xFFFFFFFF;
	p2 =	slt.u32 s8, $0xFFFFF086  }
0x1c: {  	p1 =	slt.u32 s9, $0xF7A;
	s5 =	simm.s32 @!p2 $0x0  }
0x1d: {  	s5 =	simm.s32 @p1 $0x1;
	p0 =	seq.s32 s7, s2  }
0x1e: {  	s7 =	smul.u32 @!p0 $0xF7A, s2;
	p2 =	seq.s32 @!p0 s5, $0x0  }
0x1f: {  	s9 =	smul.u32 $0xF7A, s1;
	s8 =	simm.s32 @!p0 $0x1BF5;
	p2 =	por !p2, p0  }
0x20: {  	[sflag:s8] =	ssyncset.s32 @!p0 $0xFFFFF086;
	s6 =	sadd.s32 @!p0 s3, s7;
	s7 =	simm.s32 @!p0 $0x108  }
0x21: {  	s3 =	sadd.s32 s3, s9;
	s6 =	sadd.s32 @!p0 $0x88, s6;
	s7 =	simm.s32 @p2 $0x1082  }
0x22: {  	[simem:s7], [sflag:s8] =	dma.local @!p0 [hbm:s6], $0xF7A  }
0x23: {  	s9 =	sor.u32 $0xD0000000, s2;
	s6 =	simm.s32 $0x108;
	_ =	swait.ge @!p0 [sflag:s8], $0x0  }
0x24: {  	s3 =	sadd.s32 $0x88, s3;
	s6 =	simm.s32 @!p1 $0x1082;
	[sflag:s4] =	ssyncset.s32 $0xFFFFF086  }
0x25: {  	[simem:s6], [sflag:s4] =	dma.local [hbm:s3], $0xF7A  }
0x26: {  	[smem:$0x3F9E] =	sst s1;
	(tag) =	ssettag s2;
	_ =	strace s9  }
0x27: {  	s1 =	sld [smem:$0x3FAE]  }
0x28: {  	s2 =	sld [smem:$0x3FAF]  }
0x29: {  	s4 =	sld [smem:$0x3FB1]  }
0x2a: {  	p0 =	seq.s32 s5, $0x0;
	s5 =	sld [smem:$0x3FB2]  }
0x2b: {  	s6 =	sld [smem:$0x3FB3]  }
0x2c: {  	s7 =	sld [smem:$0x3FB4]  }
0x2d: {  	s3 =	simm.s32 $0x108;
	s8 =	sld [smem:$0x3FB5]  }
0x2e: {  	s3 =	simm.s32 @!p0 $0x1082;
	s9 =	sld [smem:$0x3FB6]  }
0x2f: {  	lr =	sadd.s32 s0, s3;
	s0 =	sld [smem:$0x3FAD]  }
0x30: {  	s3 =	sld [smem:$0x3FB0]  }
0x31: {  	[smem:$0x3FB9] =	sst s10  }
0x32: {  	s10 =	sld [smem:$0x3FB7];
	_ =	sdelay $0x3  }
0x33: {  	p0 =	seq.s32 s10, $0x1;
	s10 =	sld [smem:$0x3FB9];
	_ =	sdelay $0x3  }
0x34: {  	[smem:$0x3FB9] =	sst s10  }
0x35: {  	s10 =	sld [smem:$0x3FB8];
	_ =	sdelay $0x3  }
0x36: {  	p1 =	seq.s32 s10, $0x1;
	s10 =	sld [smem:$0x3FB9];
	_ =	sdelay $0x3  }
0x37: {  	[smem:$0x3FB9] =	sst s10  }
0x38: {  	s10 =	sld [smem:$0x3FBA]  }
0x39: {  	_ = 	snop;
	(pc) =	sbr.ind lr, $3  }
0x3a: {  	_ = 	snop  }
0x3b: {  	_ = 	snop  }
0x3c: {  	p2 =	seq.s32 s10, $0x1;
	s10 =	sld [smem:$0x3FB9]  }
0x3d: {  	_ =	shalt  }
0x3e: {  	_ =	shalt  }
0x3f: {  	_ =	shalt  }
0x40: {  	_ =	shalt  }
0x41: {  	_ =	shalt  }
0x42: {  	_ =	shalt  }
0x43: {  	_ =	shalt  }
0x44: {  	_ =	shalt  }
0x45: {  	_ =	shalt  }
0x46: {  	_ =	shalt  }
0x47: {  	_ =	shalt  }
0x48: {  	_ =	shalt  }
0x49: {  	_ =	shalt  }
0x4a: {  	_ =	shalt  }
0x4b: {  	_ =	shalt  }
0x4c: {  	_ =	shalt  }
0x4d: {  	_ =	shalt  }
0x4e: {  	_ =	shalt  }
0x4f: {  	_ =	shalt  }
0x50: {  	_ =	shalt  }
0x51: {  	_ =	shalt  }
0x52: {  	_ =	shalt  }
0x53: {  	_ =	shalt  }
0x54: {  	_ =	shalt  }
0x55: {  	_ =	shalt  }
0x56: {  	_ =	shalt  }
0x57: {  	_ =	shalt  }
0x58: {  	_ =	shalt  }
0x59: {  	_ =	shalt  }
0x5a: {  	_ =	shalt  }
0x5b: {  	_ =	shalt  }
0x5c: {  	_ =	shalt  }
0x5d: {  	_ =	shalt  }
0x5e: {  	_ =	shalt  }
0x5f: {  	_ =	shalt  }
0x60: {  	_ =	shalt  }
0x61: {  	_ =	shalt  }
0x62: {  	_ =	shalt  }
0x63: {  	_ =	shalt  }
0x64: {  	_ =	shalt  }
0x65: {  	_ =	shalt  }
0x66: {  	_ =	shalt  }
0x67: {  	_ =	shalt  }
0x68: {  	_ =	shalt  }
0x69: {  	_ =	shalt  }
0x6a: {  	_ =	shalt  }
0x6b: {  	_ =	shalt  }
0x6c: {  	_ =	shalt  }
0x6d: {  	_ =	shalt  }
0x6e: {  	_ =	shalt  }
0x6f: {  	_ =	shalt  }
0x70: {  	_ =	shalt  }
0x71: {  	_ =	shalt  }
0x72: {  	_ =	shalt  }
0x73: {  	_ =	shalt  }
0x74: {  	_ =	shalt  }
0x75: {  	_ =	shalt  }
0x76: {  	_ =	shalt  }
0x77: {  	_ =	shalt  }
0x78: {  	_ =	shalt  }
0x79: {  	_ =	shalt  }
0x7a: {  	_ =	shalt  }
0x7b: {  	_ =	shalt  }
0x7c: {  	_ =	shalt  }
0x7d: {  	_ =	shalt  }
0x7e: {  	_ =	shalt  }
0x7f: {  	_ =	shalt  }
0x80: {  	_ =	shalt  }
0x81: {  	_ =	shalt  }
0x82: {  	_ =	shalt  }
0x83: {  	_ =	shalt  }
0x84: {  	_ =	shalt  }
0x85: {  	_ =	shalt  }
0x86: {  	_ =	shalt  }
0x87: {  	_ =	shalt  }
.Lfunc_end0:
.L_simem_size_0:
called_computation_lowered:
.L_overlay_start_0:
0x88: {  	s0 =	sld [smem:$0x3FD9]  }
0x89: {  	s1 =	sld [smem:$0x3FFE];
	_ =	sdelay $0x3  }
0x8a: {  	s0 =	sadd.s32 s1, s0  }
0x8b: {  	[smem:$0x3FC5] =	sst s0  }
0x8c: {  	_ = 	snop  }
0x8d: {  	s0 =	sld [smem:$0x3FD0];
	(tm) =	ssettm $0x1  }
0x8e: {  	s16 =	sld [smem:$0x3FFB];
	_ =	sdelay $0x3  }
0x8f: {  	_ =	strace s16  }
0x90: {  	s1 =	sld [smem:$0x3FFC];
	_ =	sdelay $0x3  }
0x91: {  	_ =	strace s1  }
0x92: {  	s1 =	sld [smem:$0x3FFD];
	_ =	sdelay $0x3  }
0x93: {  	_ =	strace s1  }
0x94: {  	_ =	strace $0x8FFFFFFF  }
0x95: {  	s17 =	sld [smem:$0x3FDB];
	_ =	sdelay $0x1  }
0x96: {  	s2 =	simm.s32 $_scs_section_size  }
0x97: {  	s3 =	simm.s32 $_size__tile_overlayer_lowered;
	s4 =	simm.s32 $_tile_overlayer_lowered  }
0x98: {  	s20 =	simm.s32 $0x1BFF;
	s19 =	sshll.u32 s4, $0x1;
	s1 =	sadd.s32 s2, s17  }
0x99: {  	s5 =	simm.s32 $0x0;
	s18 =	sshll.u32 s3, $0x1;
	s3 =	sadd.s32 s19, s1  }
0x9a: {  	[timem:s5], [sflag:s20] =	dma.local [hbm:s3], s18  }
0x9b: {  	_ =	swait.ge [sflag:s20], s18  }
0x9c: {  	s2 =	ssub.s32 $0x0, s18;
	[sflag:s20] =	ssyncset.done $0x0  }
0x9d: {  	[sflag:s20] =	ssyncadd.s32 s2;
	_ =	sdelay $0x1  }
0x9e: {  	s21 =	simm.s32 $0x1B8B  }
0x9f: {  	_ =	swait.ge [sflag:s21], $0x1  }
0xa0: {  	[sflag:s21] =	ssyncset.done $0x0  }
0xa1: {  	s23 =	simm.s32 $0x1B8E;
	s22 =	sld [smem:$0x3FFE];
	[sflag:s21] =	ssyncadd.s32 $0xFFFFFFFF  }
0xa2: {  	s24 =	simm.s32 $execute0_lowered;
	[smem:$0x3FD2] =	sst s23  }
0xa3: {  	s3 =	sshll.u32 s24, $0x1;
	_ =	strace $0x8000004C;
	[dreg:$0x1] =	wrdreg $0xFFFFFFFF  }
0xa4: {  	s25 =	simm.s32 $_size_execute0_lowered;
	s1 =	sadd.s32 s1, s3;
	[dreg:$0x0] =	wrdreg $0x0  }
0xa5: {  	s3 =	sshll.u32 s25, $0x1;
	[dreg:$0x2] =	wrdreg s1  }
0xa6: {  	[dreg:$0x3] =	wrdreg s3  }
0xa7: {  	[dreg:$0x4] =	wrdreg $0xC0  }
0xa8: {  	_ =	task [dreg:s5], $0x5FFFF  }
0xa9: {  	[dreg:$0x1] =	wrdreg $0xFFFFFFFF  }
0xaa: {  	[dreg:$0x0] =	wrdreg $0x60  }
0xab: {  	[dreg:$0x2] =	wrdreg s22  }
0xac: {  	[dreg:$0x3] =	wrdreg s0  }
0xad: {  	[dreg:$0x4] =	wrdreg $0x9  }
0xae: {  	_ =	task.clear_ibuf [dreg:s5], $0x5FFFF;
	_ =	strace $0x9000004C  }
0xaf: {  	s26 =	simm.s32 $0x9;
	_ =	strace $0x8000004E  }
0xb0: {  	_ =	swait.ge [sflag:s26], $0x1  }
0xb1: {  	[sflag:s26] =	ssyncadd.s32 $0xFFFFFFFF  }
0xb2: {  	_ =	strace $0x9000004E  }
0xb3: {  	_ =	sfence  }
0xb4: {  	s28 =	sld [smem:$0x0];
	_ =	sdelay $0x1  }
0xb5: {  	s29 =	srdreg.scid  }
0xb6: {  	s30 =	sshll.u32 s29, $0xD;
	s31 =	sshrl.u32 s29, $0x2  }
0xb7: {  	s2 =	sand.u32 $0x4000, s30;
	s1 =	sand.u32 $0x1, s29;
	s0 =	sadd.s32 s31, s28  }
0xb8: {  	s1 =	sor.u32 s2, s1;
	s0 =	sshll.u32 s0, $0x11  }
0xb9: {  	s0 =	sor.u32 s0, s1  }
0xba: {  	s0 =	sadd.s32 $0x8F2B, s0  }
0xbb: {  	[sflag:s0] =	ssyncadd.remote.s32 $0x1  }
0xbc: {  	_ =	sfence.sel $0xFFFF  }
0xbd: {  	[dreg:$0x0] =	wrdreg $0xFFFFFFFF;
	(pc) =	sbr.abs _section_cstart, $3  }
0xbe: {  	[dreg:$0x1] =	wrdreg $0xFFFFFFFF  }
0xbf: {  	_ =	task.clear_ibuf [dreg:s5], $0x2FFFF;
	_ =	strace $0x9FFFFFFF  }
0xc0: {  	(tm) =	ssettm $0x7FFFFFFF  }
0xc1: {  	_ =	shalt  }
tec
execute0_lowered:
.L_overlay_start_1:
0x0: {  	(tag) =	ssettag $0x1  }
0x1: {  	s2 =	rddreg [dreg:$0x0]  }
0x2: {  	s3 =	rddreg [dreg:$0x1]  }
0x3: {  	s0 =	rddreg [dreg:$0x2];
	_ =	strace $0x8000004D;
	s4 =	stileid.u32  }
0x4: {  	s5 =	simm.s32 $0x3E;
	s1 =	sadd.s32 $0x30000, s2;
	p0 =	sne.s32 s4, $0x0  }
0x5: {  	[sflag:s5] =	ssyncpa.u1 $0x0;
	s6 =	simm.s32 @!p0 $0x1C3E;
	s7 =	simm.s32 @!p0 $0x0  }
0x6: {  	[spmem:s7], [sflag:s6] =	dma.local @!p0 [hbm:s1], $0x200  }
0x7: {  	s6 =	simm.s32 @!p0 $0x3E  }
0x8: {  	_ =	swait.ge @!p0 [sflag:s6], $0x200  }
0x9: {  	[sflag:s6] =	ssyncset.done @!p0 $0x0  }
0xa: {  	[sflag:s6] =	ssyncadd.s32 @!p0 $0xFFFFFE00  }
0xb: {  	s28 =	simm.s32 $0x1;
	s29 =	simm.s32 $0x2;
	[bflag:$0x0] =	sbarrier.arrive $0xFFFF  }
0xc: {  	s31 =	simm.s32 $0x400;
	s4 =	smul.u32 $0x60, s4;
	[sflag:s5] =	ssyncpa.u1 $0x1  }
0xd: {  	s30 =	sadd.s32 $0x30200, s2;
	s2 =	simm.s32 $0x0;
	[sflag:s28] =	ssyncpa.u1 $0x0  }
0xe: {  	s3 =	sadd.s32 s3, s4;
	(ifvalue) =	ssetifvalue $0x1000;
	[sflag:s29] =	ssyncpa.u1 $0x0  }
0xf: {  	[tilespmem:s31], [sflag:$0x2] =	stream.linear.gather [hbm4b:s3+s2], $0x300, $0x38;
	[tilespmem:$0xD00] =	vst v63  }
0x10: {  	s4 =	sadd.s32 s30, s4;
	s3 =	simm.s32 $0xA00  }
0x11: {  	[tilespmem:s3], [sflag:$0x2] =	stream.linear.gather [hbm4b:s4+s2], $0x300, $0x38;
	[tilespmem:$0xD00] =	vst v63  }
0x12: {  	_ =	swait.ge [sflag:s29], $0x600  }
0x13: {  	[sflag:s29] =	ssyncset.done $0x0  }
0x14: {  	[sflag:s29] =	ssyncadd.s32 $0xFFFFFA00  }
0x15: {  	v0 =	vld.msk [tilespmem:s31+$0x0 ss:$0x1], $0xffff;
	_ =	sdelay $0x4  }
0x16: {  	v0 =	vmin.u32 v0, $0x1000;
	_ =	sdelay $0x3  }
0x17: {  	vm0 =	vmmov $0xffff;
	s5 =	simm.s32 $0x410;
	s4 =	simm.s32 $0x0  }
0x18: {  	[spmem:s2] =	stream.indirect_vreg.scatter.add.s32 [tilespmem:s3], [sflag:$0x1], $0x1, v0, vm0, $0x4038;
	[tilespmem:$0xD00] =	vst v63  }
.LBB2_1:
0x19: {  	v0 =	vld.msk [tilespmem:s5+$0x0 ss:$0x1], $0xffff;
	s4 =	sadd.s32 $0x10, s4  }
0x1a: {  	p1 =	slt.u32 s4, $0x2F0;
	_ =	sdelay $0x4  }
0x1b: {  	v0 =	vmin.u32 v0, $0x1000  }
.Ltmp0:
0x1c: {  	(pc) =	sbr.rel @p1 .LBB2_1-.Ltmp0, $3  }
0x1d: {  	_ =	sdelay $0x1  }
0x1e: {  	s5 =	sadd.s32 $0x10, s5;
	s3 =	sadd.s32 $0x10, s3  }
0x1f: {  	[spmem:s2] =	stream.indirect_vreg.scatter.add.s32 [tilespmem:s3], [sflag:$0x1], $0x1, v0, vm0, $0x4038;
	[tilespmem:$0xD00] =	vst v63  }
0x20: {  	s2 =	simm.s32 $0x1  }
0x21: {  	_ =	swait.ge [sflag:s2], $0x300  }
0x22: {  	[sflag:s2] =	ssyncset.done $0x0  }
0x23: {  	[sflag:s2] =	ssyncadd.s32 $0xFFFFFD00  }
0x24: {  	_ =	sfence.sel $0x180000  }
0x25: {  	s3 =	simm.s32 $0x2;
	[bflag:$0x0] =	sbarrier.arrive $0xFFFF  }
0x26: {  	[sflag:s3] =	ssyncpa.u1 $0x1  }
0x27: {  	[sflag:s2] =	ssyncpa.u1 $0x1  }
0x28: {  	_ =	sfence.stream.spmem  }
0x29: {  	s31 =	simm.s32 $0x3D;
	[bflag:$0x0] =	sbarrier.arrive $0xFFFF  }
0x2a: {  	s2 =	simm.s32 @p0 $0x3D;
	[sflag:s31] =	ssyncpa.u1 $0x0  }
0x2b: {  	[sflag:s2] =	ssyncpa.u1 @p0 $0x1  }
0x2c: {  	[bflag:$0x0] =	sbarrier.arrive @p0 $0xFFFF  }
0x2d: {  	_ =	strace @p0 $0x9000004D  }
0x2e: {  	s3 =	simm.s32 @!p0 $0x1C3D;
	s2 =	simm.s32 @!p0 $0x0;
	[bflag:$0x2] =	sbarrier.arrive @p0 $0xFFFF  }
0x2f: {  	[hbm:s1], [sflag:s3] =	dma.local @!p0 [spmem:s2], $0x200  }
0x30: {  	s1 =	simm.s32 @!p0 $0x3D  }
0x31: {  	_ =	swait.ge @!p0 [sflag:s1], $0x200  }
0x32: {  	[sflag:s1] =	ssyncset.done @!p0 $0x0  }
0x33: {  	[sflag:s1] =	ssyncadd.s32 @!p0 $0xFFFFFE00  }
0x34: {  	[sflag:s1] =	ssyncpa.u1 @!p0 $0x1  }
0x35: {  	[bflag:$0x0] =	sbarrier.arrive @!p0 $0xFFFF  }
0x36: {  	_ =	strace @!p0 $0x9000004D  }
0x37: {  	s0 =	sadd.s32 @!p0 $0x100000, s0;
	[bflag:$0x2] =	sbarrier.arrive @!p0 $0xFFFF  }
0x38: {  	[sflag:s0] =	ssyncadd.tile.s32 @!p0 $0x1;
	_ =	shalt  }
.Lfunc_end2:
_tile_overlayer_lowered:
.L_overlay_start_2:
0x39: {  	(tag) =	ssettag $0x2  }
0x3a: {  	s0 =	rddreg [dreg:$0x0];
	s2 =	stileid.u32  }
0x3b: {  	s1 =	rddreg [dreg:$0x1];
	p0 =	sne.s32 s2, $0x0  }
0x3c: {  	s3 =	rddreg [dreg:$0x2];
	[bflag:$0x3] =	sbarrier.arrive $0xFFFF;
	s2 =	simm.s32 @!p0 $0x1C01  }
0x3d: {  	[timem:s3], [sflag:s2] =	dma.local @!p0 [hbm:s0], s1  }
0x3e: {  	s0 =	simm.s32 @!p0 $0x1  }
0x3f: {  	_ =	swait.ge @!p0 [sflag:s0], s1  }
0x40: {  	s1 =	ssub.s32 @!p0 $0x0, s1;
	[sflag:s0] =	ssyncset.done @!p0 $0x0  }
0x41: {  	[sflag:s0] =	ssyncadd.s32 @!p0 s1  }
0x42: {  	[bflag:$0x3] =	sbarrier.arrive $0xFFFF  }
0x43: {  	_ =	shalt  }

</sc_bundles>
